<compile_context>
chip_gen: v7x
topology: tpu7x:2x2x1
jax: 0.10.2.dev20260603
libtpu: 0.0.44.dev20260713+nightly
codegen_flags: <defaults>
</compile_context>

<pallas_src>
import functools

import jax
import jax.numpy as jnp
from jax import lax
from jax.experimental import pallas as pl
from jax.experimental.pallas import tpu as pltpu
from jax.experimental.pallas import tpu_sc as plsc

B = 16384
MF_DIM = 64
MLP_DIM = 128
H1 = 128
H2 = 64

NC, NS = 2, 16
NW = NC * NS
BPW = B // NW
CHUNK = 64
NCHUNK = BPW // CHUNK
NB = 2


def _sc_gather4(user, item, umf, imf, mf_u2, mf_i2, mlp_u_t, mlp_i_t):
    mesh = plsc.VectorSubcoreMesh(core_axis_name="c", subcore_axis_name="s")
    out_type = (
        jax.ShapeDtypeStruct((B, 128), jnp.float32),
        jax.ShapeDtypeStruct((B, 128), jnp.float32),
        jax.ShapeDtypeStruct((B, MLP_DIM), jnp.float32),
        jax.ShapeDtypeStruct((B, MLP_DIM), jnp.float32),
    )

    @functools.partial(
        pl.kernel,
        mesh=mesh,
        out_type=out_type,
        scratch_types=[
            pltpu.VMEM((BPW,), jnp.int32),
            pltpu.VMEM((BPW,), jnp.int32),
            pltpu.VMEM((BPW,), jnp.int32),
            pltpu.VMEM((BPW,), jnp.int32),
            pltpu.VMEM((NB, CHUNK, 128), jnp.float32),
            pltpu.VMEM((NB, CHUNK, 128), jnp.float32),
            pltpu.VMEM((NB, CHUNK, MLP_DIM), jnp.float32),
            pltpu.VMEM((NB, CHUNK, MLP_DIM), jnp.float32),
            pltpu.SemaphoreType.DMA((NB,)),
            pltpu.SemaphoreType.DMA((NB,)),
        ],
    )
    def k(mf_u_hbm, mf_i_hbm, mlp_u_hbm, mlp_i_hbm,
          user_hbm, item_hbm, umf_hbm, imf_hbm,
          o_mf_u, o_mf_i, o_mlp_u, o_mlp_i,
          uidx, iidx, umidx, imidx, b_mfu, b_mfi, b_mlu, b_mli,
          gsem, osem):
        wid = lax.axis_index("s") * NC + lax.axis_index("c")
        base = wid * BPW
        pltpu.sync_copy(user_hbm.at[pl.ds(base, BPW)], uidx)
        pltpu.sync_copy(item_hbm.at[pl.ds(base, BPW)], iidx)
        pltpu.sync_copy(umf_hbm.at[pl.ds(base, BPW)], umidx)
        pltpu.sync_copy(imf_hbm.at[pl.ds(base, BPW)], imidx)

        def g_copies(cur, b, make_only=False):
            off = cur * CHUNK
            mk = pltpu.make_async_copy if make_only else pltpu.async_copy
            c = [
                mk(mf_u_hbm.at[umidx.at[pl.ds(off, CHUNK)]], b_mfu.at[b],
                   gsem.at[b]),
                mk(mf_i_hbm.at[imidx.at[pl.ds(off, CHUNK)]], b_mfi.at[b],
                   gsem.at[b]),
                mk(mlp_u_hbm.at[uidx.at[pl.ds(off, CHUNK)]], b_mlu.at[b],
                   gsem.at[b]),
                mk(mlp_i_hbm.at[iidx.at[pl.ds(off, CHUNK)]], b_mli.at[b],
                   gsem.at[b]),
            ]
            return c

        def o_copies(cur, b, make_only=False):
            dst = pl.ds(base + cur * CHUNK, CHUNK)
            mk = pltpu.make_async_copy if make_only else pltpu.async_copy
            return [
                mk(b_mfu.at[b], o_mf_u.at[dst], osem.at[b]),
                mk(b_mfi.at[b], o_mf_i.at[dst], osem.at[b]),
                mk(b_mlu.at[b], o_mlp_u.at[dst], osem.at[b]),
                mk(b_mli.at[b], o_mlp_i.at[dst], osem.at[b]),
            ]

        for b in range(NB):
            g_copies(b, b)

        @pl.loop(0, NCHUNK, step=NB)
        def _(ci):
            for b in range(NB):
                cur = ci + b
                for c in g_copies(cur, b, make_only=True):
                    c.wait()
                o_copies(cur, b)
                nxt = cur + NB

                @pl.when(nxt < NCHUNK)
                def _():
                    for c in o_copies(cur, b, make_only=True):
                        c.wait()
                    g_copies(nxt, b)

        for b in range(NB):
            for c in o_copies(NCHUNK - NB + b, b, make_only=True):
                c.wait()

    return k(mf_u2, mf_i2, mlp_u_t, mlp_i_t, user, item, umf, imf)


BM = 2048


def _tc_body(mfu_ref, mfi_ref, mlp_u_ref, mlp_i_ref, uh_ref, ih_ref,
             w1a_ref, w1b_ref, b1_ref, w2_ref, b2_ref,
             wp_mf_ref, wp_mlp_ref, bp_ref, o_ref):
    hp = jax.lax.Precision.HIGHEST
    h1 = jnp.dot(mlp_u_ref[...], w1a_ref[...], precision=hp,
                 preferred_element_type=jnp.float32)
    h1 = h1 + jnp.dot(mlp_i_ref[...], w1b_ref[...], precision=hp,
                      preferred_element_type=jnp.float32)
    h1 = jnp.maximum(h1 + b1_ref[...], 0.0)
    h2 = jnp.dot(h1, w2_ref[...], precision=hp,
                 preferred_element_type=jnp.float32)
    h2 = jnp.maximum(h2 + b2_ref[...], 0.0)
    g_u = mfu_ref[...]
    g_i = mfi_ref[...]
    mf_u = jnp.where(uh_ref[...] == 0, g_u[:, :MF_DIM], g_u[:, MF_DIM:])
    mf_i = jnp.where(ih_ref[...] == 0, g_i[:, :MF_DIM], g_i[:, MF_DIM:])
    mf = mf_u * mf_i
    logit = jnp.sum(mf * wp_mf_ref[...], axis=1, keepdims=True)
    logit = logit + jnp.sum(h2 * wp_mlp_ref[...], axis=1, keepdims=True)
    o_ref[...] = jax.nn.sigmoid(logit + bp_ref[...])


def _tc_mlp(mf_u_g, mf_i_g, mlp_u, mlp_i, uh, ih, W1, b1, W2, b2, Wp, bp):
    w1a = W1[:MLP_DIM]
    w1b = W1[MLP_DIM:]
    wp_mf = Wp[:MF_DIM].reshape(1, MF_DIM)
    wp_mlp = Wp[MF_DIM:].reshape(1, H2)
    b1r = b1.reshape(1, H1)
    b2r = b2.reshape(1, H2)
    bpr = bp.reshape(1, 1)

    grid = (B // BM,)
    row = lambda i: (i, 0)
    rep = lambda i: (0, 0)
    out = pl.pallas_call(
        _tc_body,
        grid=grid,
        in_specs=[
            pl.BlockSpec((BM, 128), row),
            pl.BlockSpec((BM, 128), row),
            pl.BlockSpec((BM, MLP_DIM), row),
            pl.BlockSpec((BM, MLP_DIM), row),
            pl.BlockSpec((BM, 1), row),
            pl.BlockSpec((BM, 1), row),
            pl.BlockSpec((MLP_DIM, H1), rep),
            pl.BlockSpec((MLP_DIM, H1), rep),
            pl.BlockSpec((1, H1), rep),
            pl.BlockSpec((H1, H2), rep),
            pl.BlockSpec((1, H2), rep),
            pl.BlockSpec((1, MF_DIM), rep),
            pl.BlockSpec((1, H2), rep),
            pl.BlockSpec((1, 1), rep),
        ],
        out_specs=pl.BlockSpec((BM, 1), row),
        out_shape=jax.ShapeDtypeStruct((B, 1), jnp.float32),
        compiler_params=pltpu.CompilerParams(
            dimension_semantics=("arbitrary",),
        ),
    )(mf_u_g, mf_i_g, mlp_u, mlp_i, uh, ih, w1a, w1b, b1r, W2, b2r,
      wp_mf, wp_mlp, bpr)
    return out.reshape(-1)


def kernel(user, item, mf_user_table, mf_item_table, mlp_user_table,
           mlp_item_table, W1, b1, W2, b2, Wp, bp):
    user = user.astype(jnp.int32)
    item = item.astype(jnp.int32)
    umf = jax.lax.shift_right_logical(user, 1)
    imf = jax.lax.shift_right_logical(item, 1)
    uh = (user & 1).reshape(B, 1)
    ih = (item & 1).reshape(B, 1)
    nu = mf_user_table.shape[0]
    ni = mf_item_table.shape[0]
    mf_u2 = mf_user_table.reshape(nu // 2, 2 * MF_DIM)
    mf_i2 = mf_item_table.reshape(ni // 2, 2 * MF_DIM)
    mf_u_g, mf_i_g, mlp_u, mlp_i = _sc_gather4(
        user, item, umf, imf, mf_u2, mf_i2, mlp_user_table, mlp_item_table)
    return _tc_mlp(mf_u_g, mf_i_g, mlp_u, mlp_i, uh, ih,
                   W1, b1, W2, b2, Wp, bp)

# --- scband reference (transcript-rebuilt; emitter-appended) ---
"""Pipeline reference for scband-neu-mf-29119878267134 (READ-ONLY COPY).

The authoritative reference and input builder live on the scoring server;
editing this copy changes nothing except your own understanding.
"""

import jax, jax.numpy as jnp
import numpy as np

B = 16384
NU = 100000
NI = 100000
MF_DIM = 64
LAYERS = [256, 128, 64]


def setup_inputs(seed: int = 0) -> dict:
    key = jax.random.key(seed)
    ks = jax.random.split(key, 12)
    user = jax.random.randint(ks[0], (B,), 0, NU, dtype=jnp.int64 if jax.config.jax_enable_x64 else jnp.int32)
    item = jax.random.randint(ks[1], (B,), 0, NI, dtype=jnp.int64 if jax.config.jax_enable_x64 else jnp.int32)
    s = 0.05
    mf_user_table = jax.random.normal(ks[2], (NU, MF_DIM), dtype=jnp.float32) * s
    mf_item_table = jax.random.normal(ks[3], (NI, MF_DIM), dtype=jnp.float32) * s
    mlp_user_table = jax.random.normal(ks[4], (NU, LAYERS[0] // 2), dtype=jnp.float32) * s
    mlp_item_table = jax.random.normal(ks[5], (NI, LAYERS[0] // 2), dtype=jnp.float32) * s
    W1 = jax.random.normal(ks[6], (LAYERS[0], LAYERS[1]), dtype=jnp.float32) * s
    b1 = jnp.zeros((LAYERS[1],), dtype=jnp.float32)
    W2 = jax.random.normal(ks[7], (LAYERS[1], LAYERS[2]), dtype=jnp.float32) * s
    b2 = jnp.zeros((LAYERS[2],), dtype=jnp.float32)
    Wp = jax.random.normal(ks[8], (MF_DIM + LAYERS[-1], 1), dtype=jnp.float32) * s
    bp = jnp.zeros((1,), dtype=jnp.float32)
    return {
        "user": user,
        "item": item,
        "mf_user_table": mf_user_table,
        "mf_item_table": mf_item_table,
        "mlp_user_table": mlp_user_table,
        "mlp_item_table": mlp_item_table,
        "W1": W1,
        "b1": b1,
        "W2": W2,
        "b2": b2,
        "Wp": Wp,
        "bp": bp,
    }


def reference(user, item, mf_user_table, mf_item_table, mlp_user_table, mlp_item_table, W1, b1, W2, b2, Wp, bp):
    # MF branch: embedding lookups + elementwise product
    mf_user_emb = jnp.take(mf_user_table, user, axis=0)
    mf_item_emb = jnp.take(mf_item_table, item, axis=0)
    mf_vector = mf_user_emb * mf_item_emb
    # MLP branch: embedding lookups + concat + MLP (Linear+ReLU stack)
    mlp_user_emb = jnp.take(mlp_user_table, user, axis=0)
    mlp_item_emb = jnp.take(mlp_item_table, item, axis=0)
    mlp_vector = jnp.concatenate([mlp_user_emb, mlp_item_emb], axis=-1)
    mlp_vector = jax.nn.relu(mlp_vector @ W1 + b1)
    mlp_vector = jax.nn.relu(mlp_vector @ W2 + b2)
    # Fusion + prediction head
    predict_vector = jnp.concatenate([mf_vector, mlp_vector], axis=-1)
    pred = jax.nn.sigmoid(predict_vector @ Wp + bp)
    return pred.reshape(-1)

if __name__ == "__main__":
    import jax
    _d = setup_inputs()
    print(jax.jit(kernel)(*tuple(_d.values())))

</pallas_src>

<mosaic_0001>
#map = affine_map<(d0, d1) -> (0, 0)>
#map1 = affine_map<(d0, d1) -> (0)>
module attributes {stable_mosaic.version = 14 : i64} {
  func.func @k(%arg0: i32, %arg1: i32, %arg2: memref<50000x128xf32, #tpu.memory_space<hbm>>, %arg3: memref<50000x128xf32, #tpu.memory_space<hbm>>, %arg4: memref<100000x128xf32, #tpu.memory_space<hbm>>, %arg5: memref<100000x128xf32, #tpu.memory_space<hbm>>, %arg6: memref<16384xi32, #tpu.memory_space<hbm>>, %arg7: memref<16384xi32, #tpu.memory_space<hbm>>, %arg8: memref<16384xi32, #tpu.memory_space<hbm>>, %arg9: memref<16384xi32, #tpu.memory_space<hbm>>, %arg10: memref<16384x128xf32, #tpu.memory_space<hbm>>, %arg11: memref<16384x128xf32, #tpu.memory_space<hbm>>, %arg12: memref<16384x128xf32, #tpu.memory_space<hbm>>, %arg13: memref<16384x128xf32, #tpu.memory_space<hbm>>, %arg14: memref<512xi32, #tpu.memory_space<vmem>>, %arg15: memref<512xi32, #tpu.memory_space<vmem>>, %arg16: memref<512xi32, #tpu.memory_space<vmem>>, %arg17: memref<512xi32, #tpu.memory_space<vmem>>, %arg18: memref<2x64x128xf32, #tpu.memory_space<vmem>>, %arg19: memref<2x64x128xf32, #tpu.memory_space<vmem>>, %arg20: memref<2x64x128xf32, #tpu.memory_space<vmem>>, %arg21: memref<2x64x128xf32, #tpu.memory_space<vmem>>, %arg22: memref<2x!tpu.dma_semaphore, #tpu.memory_space<semaphore_mem>>, %arg23: memref<2x!tpu.dma_semaphore, #tpu.memory_space<semaphore_mem>>) attributes {dimension_semantics = [#tpu.dimension_semantics<core_parallel>, #tpu.dimension_semantics<subcore_parallel>], iteration_bounds = array<i64: 2, 16>, scalar_prefetch = 0 : i64, scratch_operands = 10 : i64, tpu.core_type = #tpu.core_type<sc_vector_subcore>, window_params = [{transform_indices = #map}, {transform_indices = #map}, {transform_indices = #map}, {transform_indices = #map}, {transform_indices = #map1}, {transform_indices = #map1}, {transform_indices = #map1}, {transform_indices = #map1}, {transform_indices = #map}, {transform_indices = #map}, {transform_indices = #map}, {transform_indices = #map}]} {
    %mul3A = arith.constant 2 : i32
    %mul3A_0 = arith.muli %arg1, %mul3A : i32
    %add3A = arith.addi %mul3A_0, %arg0 : i32
    %mul3A_1 = arith.constant 512 : i32
    %mul3A_2 = arith.muli %add3A, %mul3A_1 : i32
    "tpu.region"() ({
      %run_scoped3A = tpu.sem_alloc : memref<!tpu.dma_semaphore, #tpu.memory_space<semaphore_mem>>
      %dma_start3A_241 = tpu.memref_slice %arg6[%mul3A_2] : memref<16384xi32, #tpu.memory_space<hbm>> -> memref<512xi32, #tpu.memory_space<hbm>>
      %dma_start3A_242 = tpu.memref_slice %arg6[%mul3A_2] : memref<16384xi32, #tpu.memory_space<hbm>> -> memref<512xi32, #tpu.memory_space<hbm>>
      tpu.enqueue_dma source(%dma_start3A_242 : memref<512xi32, #tpu.memory_space<hbm>>) target(%arg14 : memref<512xi32, #tpu.memory_space<vmem>>) target_semaphore(%run_scoped3A : memref<!tpu.dma_semaphore, #tpu.memory_space<semaphore_mem>>)
      %dma_wait3A_243 = tpu.memref_slice %arg6[%mul3A_2] : memref<16384xi32, #tpu.memory_space<hbm>> -> memref<512xi32, #tpu.memory_space<hbm>>
      %dma_wait3A_244 = tpu.memref_slice %arg6[%mul3A_2] : memref<16384xi32, #tpu.memory_space<hbm>> -> memref<512xi32, #tpu.memory_space<hbm>>
      tpu.wait_dma2 semaphore(%run_scoped3A : memref<!tpu.dma_semaphore, #tpu.memory_space<semaphore_mem>>) src(%dma_wait3A_244 : memref<512xi32, #tpu.memory_space<hbm>>) dst(%arg14 : memref<512xi32, #tpu.memory_space<vmem>>)
      tpu.yield
    }) : () -> ()
    "tpu.region"() ({
      %run_scoped3A = tpu.sem_alloc : memref<!tpu.dma_semaphore, #tpu.memory_space<semaphore_mem>>
      %dma_start3A_241 = tpu.memref_slice %arg7[%mul3A_2] : memref<16384xi32, #tpu.memory_space<hbm>> -> memref<512xi32, #tpu.memory_space<hbm>>
      %dma_start3A_242 = tpu.memref_slice %arg7[%mul3A_2] : memref<16384xi32, #tpu.memory_space<hbm>> -> memref<512xi32, #tpu.memory_space<hbm>>
      tpu.enqueue_dma source(%dma_start3A_242 : memref<512xi32, #tpu.memory_space<hbm>>) target(%arg15 : memref<512xi32, #tpu.memory_space<vmem>>) target_semaphore(%run_scoped3A : memref<!tpu.dma_semaphore, #tpu.memory_space<semaphore_mem>>)
      %dma_wait3A_243 = tpu.memref_slice %arg7[%mul3A_2] : memref<16384xi32, #tpu.memory_space<hbm>> -> memref<512xi32, #tpu.memory_space<hbm>>
      %dma_wait3A_244 = tpu.memref_slice %arg7[%mul3A_2] : memref<16384xi32, #tpu.memory_space<hbm>> -> memref<512xi32, #tpu.memory_space<hbm>>
      tpu.wait_dma2 semaphore(%run_scoped3A : memref<!tpu.dma_semaphore, #tpu.memory_space<semaphore_mem>>) src(%dma_wait3A_244 : memref<512xi32, #tpu.memory_space<hbm>>) dst(%arg15 : memref<512xi32, #tpu.memory_space<vmem>>)
      tpu.yield
    }) : () -> ()
    "tpu.region"() ({
      %run_scoped3A = tpu.sem_alloc : memref<!tpu.dma_semaphore, #tpu.memory_space<semaphore_mem>>
      %dma_start3A_241 = tpu.memref_slice %arg8[%mul3A_2] : memref<16384xi32, #tpu.memory_space<hbm>> -> memref<512xi32, #tpu.memory_space<hbm>>
      %dma_start3A_242 = tpu.memref_slice %arg8[%mul3A_2] : memref<16384xi32, #tpu.memory_space<hbm>> -> memref<512xi32, #tpu.memory_space<hbm>>
      tpu.enqueue_dma source(%dma_start3A_242 : memref<512xi32, #tpu.memory_space<hbm>>) target(%arg16 : memref<512xi32, #tpu.memory_space<vmem>>) target_semaphore(%run_scoped3A : memref<!tpu.dma_semaphore, #tpu.memory_space<semaphore_mem>>)
      %dma_wait3A_243 = tpu.memref_slice %arg8[%mul3A_2] : memref<16384xi32, #tpu.memory_space<hbm>> -> memref<512xi32, #tpu.memory_space<hbm>>
      %dma_wait3A_244 = tpu.memref_slice %arg8[%mul3A_2] : memref<16384xi32, #tpu.memory_space<hbm>> -> memref<512xi32, #tpu.memory_space<hbm>>
      tpu.wait_dma2 semaphore(%run_scoped3A : memref<!tpu.dma_semaphore, #tpu.memory_space<semaphore_mem>>) src(%dma_wait3A_244 : memref<512xi32, #tpu.memory_space<hbm>>) dst(%arg16 : memref<512xi32, #tpu.memory_space<vmem>>)
      tpu.yield
    }) : () -> ()
    "tpu.region"() ({
      %run_scoped3A = tpu.sem_alloc : memref<!tpu.dma_semaphore, #tpu.memory_space<semaphore_mem>>
      %dma_start3A_241 = tpu.memref_slice %arg9[%mul3A_2] : memref<16384xi32, #tpu.memory_space<hbm>> -> memref<512xi32, #tpu.memory_space<hbm>>
      %dma_start3A_242 = tpu.memref_slice %arg9[%mul3A_2] : memref<16384xi32, #tpu.memory_space<hbm>> -> memref<512xi32, #tpu.memory_space<hbm>>
      tpu.enqueue_dma source(%dma_start3A_242 : memref<512xi32, #tpu.memory_space<hbm>>) target(%arg17 : memref<512xi32, #tpu.memory_space<vmem>>) target_semaphore(%run_scoped3A : memref<!tpu.dma_semaphore, #tpu.memory_space<semaphore_mem>>)
      %dma_wait3A_243 = tpu.memref_slice %arg9[%mul3A_2] : memref<16384xi32, #tpu.memory_space<hbm>> -> memref<512xi32, #tpu.memory_space<hbm>>
      %dma_wait3A_244 = tpu.memref_slice %arg9[%mul3A_2] : memref<16384xi32, #tpu.memory_space<hbm>> -> memref<512xi32, #tpu.memory_space<hbm>>
      tpu.wait_dma2 semaphore(%run_scoped3A : memref<!tpu.dma_semaphore, #tpu.memory_space<semaphore_mem>>) src(%dma_wait3A_244 : memref<512xi32, #tpu.memory_space<hbm>>) dst(%arg17 : memref<512xi32, #tpu.memory_space<vmem>>)
      tpu.yield
    }) : () -> ()
    %dma_start3A = arith.constant 0 : i32
    %dma_start3A_3 = arith.constant 0 : i32
    %dma_start3A_4 = arith.constant 0 : i32
    %dma_start3A_5 = arith.constant 0 : i32
    %dma_start3A_6 = tpu.memref_slice %arg18[%dma_start3A, %dma_start3A_4, %dma_start3A_5] : memref<2x64x128xf32, #tpu.memory_space<vmem>> -> memref<1x64x128xf32, #tpu.memory_space<vmem>>
    %dma_start3A_7 = tpu.memref_squeeze %dma_start3A_6 : memref<1x64x128xf32, #tpu.memory_space<vmem>> -> memref<64x128xf32, #tpu.memory_space<vmem>>
    %dma_start3A_8 = arith.constant 0 : i32
    %dma_start3A_9 = tpu.memref_slice %arg16[%dma_start3A_8] : memref<512xi32, #tpu.memory_space<vmem>> -> memref<64xi32, #tpu.memory_space<vmem>>
    %dma_start3A_10 = arith.constant 0 : i32
    %dma_start3A_11 = arith.constant 0 : i32
    %dma_start3A_12 = tpu.memref_slice %arg2[%dma_start3A_10, %dma_start3A_11] : memref<50000x128xf32, #tpu.memory_space<hbm>> -> memref<50000x128xf32, #tpu.memory_space<hbm>>
    %dma_start3A_13 = tpu.memref_slice %arg22[%dma_start3A_3] : memref<2x!tpu.dma_semaphore, #tpu.memory_space<semaphore_mem>> -> memref<1x!tpu.dma_semaphore, #tpu.memory_space<semaphore_mem>>
    %dma_start3A_14 = tpu.memref_squeeze %dma_start3A_13 : memref<1x!tpu.dma_semaphore, #tpu.memory_space<semaphore_mem>> -> memref<!tpu.dma_semaphore, #tpu.memory_space<semaphore_mem>>
    tpu.enqueue_indirect_dma source(%dma_start3A_12 : memref<50000x128xf32, #tpu.memory_space<hbm>>) target(%dma_start3A_7 : memref<64x128xf32, #tpu.memory_space<vmem>>) offsets(%dma_start3A_9 : memref<64xi32, #tpu.memory_space<vmem>>) semaphore(%dma_start3A_14 : memref<!tpu.dma_semaphore, #tpu.memory_space<semaphore_mem>>)
    %dma_start3A_15 = arith.constant 0 : i32
    %dma_start3A_16 = arith.constant 0 : i32
    %dma_start3A_17 = arith.constant 0 : i32
    %dma_start3A_18 = arith.constant 0 : i32
    %dma_start3A_19 = tpu.memref_slice %arg19[%dma_start3A_15, %dma_start3A_17, %dma_start3A_18] : memref<2x64x128xf32, #tpu.memory_space<vmem>> -> memref<1x64x128xf32, #tpu.memory_space<vmem>>
    %dma_start3A_20 = tpu.memref_squeeze %dma_start3A_19 : memref<1x64x128xf32, #tpu.memory_space<vmem>> -> memref<64x128xf32, #tpu.memory_space<vmem>>
    %dma_start3A_21 = arith.constant 0 : i32
    %dma_start3A_22 = tpu.memref_slice %arg17[%dma_start3A_21] : memref<512xi32, #tpu.memory_space<vmem>> -> memref<64xi32, #tpu.memory_space<vmem>>
    %dma_start3A_23 = arith.constant 0 : i32
    %dma_start3A_24 = arith.constant 0 : i32
    %dma_start3A_25 = tpu.memref_slice %arg3[%dma_start3A_23, %dma_start3A_24] : memref<50000x128xf32, #tpu.memory_space<hbm>> -> memref<50000x128xf32, #tpu.memory_space<hbm>>
    %dma_start3A_26 = tpu.memref_slice %arg22[%dma_start3A_16] : memref<2x!tpu.dma_semaphore, #tpu.memory_space<semaphore_mem>> -> memref<1x!tpu.dma_semaphore, #tpu.memory_space<semaphore_mem>>
    %dma_start3A_27 = tpu.memref_squeeze %dma_start3A_26 : memref<1x!tpu.dma_semaphore, #tpu.memory_space<semaphore_mem>> -> memref<!tpu.dma_semaphore, #tpu.memory_space<semaphore_mem>>
    tpu.enqueue_indirect_dma source(%dma_start3A_25 : memref<50000x128xf32, #tpu.memory_space<hbm>>) target(%dma_start3A_20 : memref<64x128xf32, #tpu.memory_space<vmem>>) offsets(%dma_start3A_22 : memref<64xi32, #tpu.memory_space<vmem>>) semaphore(%dma_start3A_27 : memref<!tpu.dma_semaphore, #tpu.memory_space<semaphore_mem>>)
    %dma_start3A_28 = arith.constant 0 : i32
    %dma_start3A_29 = arith.constant 0 : i32
    %dma_start3A_30 = arith.constant 0 : i32
    %dma_start3A_31 = arith.constant 0 : i32
    %dma_start3A_32 = tpu.memref_slice %arg20[%dma_start3A_28, %dma_start3A_30, %dma_start3A_31] : memref<2x64x128xf32, #tpu.memory_space<vmem>> -> memref<1x64x128xf32, #tpu.memory_space<vmem>>
    %dma_start3A_33 = tpu.memref_squeeze %dma_start3A_32 : memref<1x64x128xf32, #tpu.memory_space<vmem>> -> memref<64x128xf32, #tpu.memory_space<vmem>>
    %dma_start3A_34 = arith.constant 0 : i32
    %dma_start3A_35 = tpu.memref_slice %arg14[%dma_start3A_34] : memref<512xi32, #tpu.memory_space<vmem>> -> memref<64xi32, #tpu.memory_space<vmem>>
    %dma_start3A_36 = arith.constant 0 : i32
    %dma_start3A_37 = arith.constant 0 : i32
    %dma_start3A_38 = tpu.memref_slice %arg4[%dma_start3A_36, %dma_start3A_37] : memref<100000x128xf32, #tpu.memory_space<hbm>> -> memref<100000x128xf32, #tpu.memory_space<hbm>>
    %dma_start3A_39 = tpu.memref_slice %arg22[%dma_start3A_29] : memref<2x!tpu.dma_semaphore, #tpu.memory_space<semaphore_mem>> -> memref<1x!tpu.dma_semaphore, #tpu.memory_space<semaphore_mem>>
    %dma_start3A_40 = tpu.memref_squeeze %dma_start3A_39 : memref<1x!tpu.dma_semaphore, #tpu.memory_space<semaphore_mem>> -> memref<!tpu.dma_semaphore, #tpu.memory_space<semaphore_mem>>
    tpu.enqueue_indirect_dma source(%dma_start3A_38 : memref<100000x128xf32, #tpu.memory_space<hbm>>) target(%dma_start3A_33 : memref<64x128xf32, #tpu.memory_space<vmem>>) offsets(%dma_start3A_35 : memref<64xi32, #tpu.memory_space<vmem>>) semaphore(%dma_start3A_40 : memref<!tpu.dma_semaphore, #tpu.memory_space<semaphore_mem>>)
    %dma_start3A_41 = arith.constant 0 : i32
    %dma_start3A_42 = arith.constant 0 : i32
    %dma_start3A_43 = arith.constant 0 : i32
    %dma_start3A_44 = arith.constant 0 : i32
    %dma_start3A_45 = tpu.memref_slice %arg21[%dma_start3A_41, %dma_start3A_43, %dma_start3A_44] : memref<2x64x128xf32, #tpu.memory_space<vmem>> -> memref<1x64x128xf32, #tpu.memory_space<vmem>>
    %dma_start3A_46 = tpu.memref_squeeze %dma_start3A_45 : memref<1x64x128xf32, #tpu.memory_space<vmem>> -> memref<64x128xf32, #tpu.memory_space<vmem>>
    %dma_start3A_47 = arith.constant 0 : i32
    %dma_start3A_48 = tpu.memref_slice %arg15[%dma_start3A_47] : memref<512xi32, #tpu.memory_space<vmem>> -> memref<64xi32, #tpu.memory_space<vmem>>
    %dma_start3A_49 = arith.constant 0 : i32
    %dma_start3A_50 = arith.constant 0 : i32
    %dma_start3A_51 = tpu.memref_slice %arg5[%dma_start3A_49, %dma_start3A_50] : memref<100000x128xf32, #tpu.memory_space<hbm>> -> memref<100000x128xf32, #tpu.memory_space<hbm>>
    %dma_start3A_52 = tpu.memref_slice %arg22[%dma_start3A_42] : memref<2x!tpu.dma_semaphore, #tpu.memory_space<semaphore_mem>> -> memref<1x!tpu.dma_semaphore, #tpu.memory_space<semaphore_mem>>
    %dma_start3A_53 = tpu.memref_squeeze %dma_start3A_52 : memref<1x!tpu.dma_semaphore, #tpu.memory_space<semaphore_mem>> -> memref<!tpu.dma_semaphore, #tpu.memory_space<semaphore_mem>>
    tpu.enqueue_indirect_dma source(%dma_start3A_51 : memref<100000x128xf32, #tpu.memory_space<hbm>>) target(%dma_start3A_46 : memref<64x128xf32, #tpu.memory_space<vmem>>) offsets(%dma_start3A_48 : memref<64xi32, #tpu.memory_space<vmem>>) semaphore(%dma_start3A_53 : memref<!tpu.dma_semaphore, #tpu.memory_space<semaphore_mem>>)
    %dma_start3A_54 = arith.constant 1 : i32
    %dma_start3A_55 = arith.constant 1 : i32
    %dma_start3A_56 = arith.constant 0 : i32
    %dma_start3A_57 = arith.constant 0 : i32
    %dma_start3A_58 = tpu.memref_slice %arg18[%dma_start3A_54, %dma_start3A_56, %dma_start3A_57] : memref<2x64x128xf32, #tpu.memory_space<vmem>> -> memref<1x64x128xf32, #tpu.memory_space<vmem>>
    %dma_start3A_59 = tpu.memref_squeeze %dma_start3A_58 : memref<1x64x128xf32, #tpu.memory_space<vmem>> -> memref<64x128xf32, #tpu.memory_space<vmem>>
    %dma_start3A_60 = arith.constant 64 : i32
    %dma_start3A_61 = tpu.memref_slice %arg16[%dma_start3A_60] : memref<512xi32, #tpu.memory_space<vmem>> -> memref<64xi32, #tpu.memory_space<vmem>>
    %dma_start3A_62 = arith.constant 0 : i32
    %dma_start3A_63 = arith.constant 0 : i32
    %dma_start3A_64 = tpu.memref_slice %arg2[%dma_start3A_62, %dma_start3A_63] : memref<50000x128xf32, #tpu.memory_space<hbm>> -> memref<50000x128xf32, #tpu.memory_space<hbm>>
    %dma_start3A_65 = tpu.memref_slice %arg22[%dma_start3A_55] : memref<2x!tpu.dma_semaphore, #tpu.memory_space<semaphore_mem>> -> memref<1x!tpu.dma_semaphore, #tpu.memory_space<semaphore_mem>>
    %dma_start3A_66 = tpu.memref_squeeze %dma_start3A_65 : memref<1x!tpu.dma_semaphore, #tpu.memory_space<semaphore_mem>> -> memref<!tpu.dma_semaphore, #tpu.memory_space<semaphore_mem>>
    tpu.enqueue_indirect_dma source(%dma_start3A_64 : memref<50000x128xf32, #tpu.memory_space<hbm>>) target(%dma_start3A_59 : memref<64x128xf32, #tpu.memory_space<vmem>>) offsets(%dma_start3A_61 : memref<64xi32, #tpu.memory_space<vmem>>) semaphore(%dma_start3A_66 : memref<!tpu.dma_semaphore, #tpu.memory_space<semaphore_mem>>)
    %dma_start3A_67 = arith.constant 1 : i32
    %dma_start3A_68 = arith.constant 1 : i32
    %dma_start3A_69 = arith.constant 0 : i32
    %dma_start3A_70 = arith.constant 0 : i32
    %dma_start3A_71 = tpu.memref_slice %arg19[%dma_start3A_67, %dma_start3A_69, %dma_start3A_70] : memref<2x64x128xf32, #tpu.memory_space<vmem>> -> memref<1x64x128xf32, #tpu.memory_space<vmem>>
    %dma_start3A_72 = tpu.memref_squeeze %dma_start3A_71 : memref<1x64x128xf32, #tpu.memory_space<vmem>> -> memref<64x128xf32, #tpu.memory_space<vmem>>
    %dma_start3A_73 = arith.constant 64 : i32
    %dma_start3A_74 = tpu.memref_slice %arg17[%dma_start3A_73] : memref<512xi32, #tpu.memory_space<vmem>> -> memref<64xi32, #tpu.memory_space<vmem>>
    %dma_start3A_75 = arith.constant 0 : i32
    %dma_start3A_76 = arith.constant 0 : i32
    %dma_start3A_77 = tpu.memref_slice %arg3[%dma_start3A_75, %dma_start3A_76] : memref<50000x128xf32, #tpu.memory_space<hbm>> -> memref<50000x128xf32, #tpu.memory_space<hbm>>
    %dma_start3A_78 = tpu.memref_slice %arg22[%dma_start3A_68] : memref<2x!tpu.dma_semaphore, #tpu.memory_space<semaphore_mem>> -> memref<1x!tpu.dma_semaphore, #tpu.memory_space<semaphore_mem>>
    %dma_start3A_79 = tpu.memref_squeeze %dma_start3A_78 : memref<1x!tpu.dma_semaphore, #tpu.memory_space<semaphore_mem>> -> memref<!tpu.dma_semaphore, #tpu.memory_space<semaphore_mem>>
    tpu.enqueue_indirect_dma source(%dma_start3A_77 : memref<50000x128xf32, #tpu.memory_space<hbm>>) target(%dma_start3A_72 : memref<64x128xf32, #tpu.memory_space<vmem>>) offsets(%dma_start3A_74 : memref<64xi32, #tpu.memory_space<vmem>>) semaphore(%dma_start3A_79 : memref<!tpu.dma_semaphore, #tpu.memory_space<semaphore_mem>>)
    %dma_start3A_80 = arith.constant 1 : i32
    %dma_start3A_81 = arith.constant 1 : i32
    %dma_start3A_82 = arith.constant 0 : i32
    %dma_start3A_83 = arith.constant 0 : i32
    %dma_start3A_84 = tpu.memref_slice %arg20[%dma_start3A_80, %dma_start3A_82, %dma_start3A_83] : memref<2x64x128xf32, #tpu.memory_space<vmem>> -> memref<1x64x128xf32, #tpu.memory_space<vmem>>
    %dma_start3A_85 = tpu.memref_squeeze %dma_start3A_84 : memref<1x64x128xf32, #tpu.memory_space<vmem>> -> memref<64x128xf32, #tpu.memory_space<vmem>>
    %dma_start3A_86 = arith.constant 64 : i32
    %dma_start3A_87 = tpu.memref_slice %arg14[%dma_start3A_86] : memref<512xi32, #tpu.memory_space<vmem>> -> memref<64xi32, #tpu.memory_space<vmem>>
    %dma_start3A_88 = arith.constant 0 : i32
    %dma_start3A_89 = arith.constant 0 : i32
    %dma_start3A_90 = tpu.memref_slice %arg4[%dma_start3A_88, %dma_start3A_89] : memref<100000x128xf32, #tpu.memory_space<hbm>> -> memref<100000x128xf32, #tpu.memory_space<hbm>>
    %dma_start3A_91 = tpu.memref_slice %arg22[%dma_start3A_81] : memref<2x!tpu.dma_semaphore, #tpu.memory_space<semaphore_mem>> -> memref<1x!tpu.dma_semaphore, #tpu.memory_space<semaphore_mem>>
    %dma_start3A_92 = tpu.memref_squeeze %dma_start3A_91 : memref<1x!tpu.dma_semaphore, #tpu.memory_space<semaphore_mem>> -> memref<!tpu.dma_semaphore, #tpu.memory_space<semaphore_mem>>
    tpu.enqueue_indirect_dma source(%dma_start3A_90 : memref<100000x128xf32, #tpu.memory_space<hbm>>) target(%dma_start3A_85 : memref<64x128xf32, #tpu.memory_space<vmem>>) offsets(%dma_start3A_87 : memref<64xi32, #tpu.memory_space<vmem>>) semaphore(%dma_start3A_92 : memref<!tpu.dma_semaphore, #tpu.memory_space<semaphore_mem>>)
    %dma_start3A_93 = arith.constant 1 : i32
    %dma_start3A_94 = arith.constant 1 : i32
    %dma_start3A_95 = arith.constant 0 : i32
    %dma_start3A_96 = arith.constant 0 : i32
    %dma_start3A_97 = tpu.memref_slice %arg21[%dma_start3A_93, %dma_start3A_95, %dma_start3A_96] : memref<2x64x128xf32, #tpu.memory_space<vmem>> -> memref<1x64x128xf32, #tpu.memory_space<vmem>>
    %dma_start3A_98 = tpu.memref_squeeze %dma_start3A_97 : memref<1x64x128xf32, #tpu.memory_space<vmem>> -> memref<64x128xf32, #tpu.memory_space<vmem>>
    %dma_start3A_99 = arith.constant 64 : i32
    %dma_start3A_100 = tpu.memref_slice %arg15[%dma_start3A_99] : memref<512xi32, #tpu.memory_space<vmem>> -> memref<64xi32, #tpu.memory_space<vmem>>
    %dma_start3A_101 = arith.constant 0 : i32
    %dma_start3A_102 = arith.constant 0 : i32
    %dma_start3A_103 = tpu.memref_slice %arg5[%dma_start3A_101, %dma_start3A_102] : memref<100000x128xf32, #tpu.memory_space<hbm>> -> memref<100000x128xf32, #tpu.memory_space<hbm>>
    %dma_start3A_104 = tpu.memref_slice %arg22[%dma_start3A_94] : memref<2x!tpu.dma_semaphore, #tpu.memory_space<semaphore_mem>> -> memref<1x!tpu.dma_semaphore, #tpu.memory_space<semaphore_mem>>
    %dma_start3A_105 = tpu.memref_squeeze %dma_start3A_104 : memref<1x!tpu.dma_semaphore, #tpu.memory_space<semaphore_mem>> -> memref<!tpu.dma_semaphore, #tpu.memory_space<semaphore_mem>>
    tpu.enqueue_indirect_dma source(%dma_start3A_103 : memref<100000x128xf32, #tpu.memory_space<hbm>>) target(%dma_start3A_98 : memref<64x128xf32, #tpu.memory_space<vmem>>) offsets(%dma_start3A_100 : memref<64xi32, #tpu.memory_space<vmem>>) semaphore(%dma_start3A_105 : memref<!tpu.dma_semaphore, #tpu.memory_space<semaphore_mem>>)
    %scan3A = arith.constant 0 : i32
    %scan3A_106 = arith.constant 4 : i32
    %scan3A_107 = arith.addi %scan3A, %scan3A_106 : i32
    %scan3A_108 = arith.constant 1 : i32
    scf.for %scan3A_241 = %scan3A to %scan3A_107 step %scan3A_108  : i32 {
      %mul3A_242 = arith.constant 2 : i32
      %mul3A_243 = arith.muli %scan3A_241, %mul3A_242 : i32
      %add3A_244 = arith.constant 0 : i32
      %add3A_245 = arith.addi %add3A_244, %mul3A_243 : i32
      %add3A_246 = arith.constant 0 : i32
      %add3A_247 = arith.addi %add3A_245, %add3A_246 : i32
      %mul3A_248 = arith.constant 64 : i32
      %mul3A_249 = arith.muli %add3A_247, %mul3A_248 : i32
      %dma_wait3A_250 = arith.constant 0 : i32
      %dma_wait3A_251 = arith.constant 0 : i32
      %dma_wait3A_252 = arith.constant 0 : i32
      %dma_wait3A_253 = arith.constant 0 : i32
      %dma_wait3A_254 = tpu.memref_slice %arg18[%dma_wait3A_250, %dma_wait3A_252, %dma_wait3A_253] : memref<2x64x128xf32, #tpu.memory_space<vmem>> -> memref<1x64x128xf32, #tpu.memory_space<vmem>>
      %dma_wait3A_255 = tpu.memref_squeeze %dma_wait3A_254 : memref<1x64x128xf32, #tpu.memory_space<vmem>> -> memref<64x128xf32, #tpu.memory_space<vmem>>
      %dma_wait3A_256 = tpu.memref_slice %arg16[%mul3A_249] : memref<512xi32, #tpu.memory_space<vmem>> -> memref<64xi32, #tpu.memory_space<vmem>>
      %dma_wait3A_257 = arith.constant 0 : i32
      %dma_wait3A_258 = arith.constant 0 : i32
      %dma_wait3A_259 = tpu.memref_slice %arg2[%dma_wait3A_257, %dma_wait3A_258] : memref<50000x128xf32, #tpu.memory_space<hbm>> -> memref<50000x128xf32, #tpu.memory_space<hbm>>
      %dma_wait3A_260 = tpu.memref_slice %arg22[%dma_wait3A_251] : memref<2x!tpu.dma_semaphore, #tpu.memory_space<semaphore_mem>> -> memref<1x!tpu.dma_semaphore, #tpu.memory_space<semaphore_mem>>
      %dma_wait3A_261 = tpu.memref_squeeze %dma_wait3A_260 : memref<1x!tpu.dma_semaphore, #tpu.memory_space<semaphore_mem>> -> memref<!tpu.dma_semaphore, #tpu.memory_space<semaphore_mem>>
      tpu.wait_indirect_dma semaphore(%dma_wait3A_261 : memref<!tpu.dma_semaphore, #tpu.memory_space<semaphore_mem>>) src(%dma_wait3A_259 : memref<50000x128xf32, #tpu.memory_space<hbm>>) dst(%dma_wait3A_255 : memref<64x128xf32, #tpu.memory_space<vmem>>)
      %dma_wait3A_262 = arith.constant 0 : i32
      %dma_wait3A_263 = arith.constant 0 : i32
      %dma_wait3A_264 = arith.constant 0 : i32
      %dma_wait3A_265 = arith.constant 0 : i32
      %dma_wait3A_266 = tpu.memref_slice %arg19[%dma_wait3A_262, %dma_wait3A_264, %dma_wait3A_265] : memref<2x64x128xf32, #tpu.memory_space<vmem>> -> memref<1x64x128xf32, #tpu.memory_space<vmem>>
      %dma_wait3A_267 = tpu.memref_squeeze %dma_wait3A_266 : memref<1x64x128xf32, #tpu.memory_space<vmem>> -> memref<64x128xf32, #tpu.memory_space<vmem>>
      %dma_wait3A_268 = tpu.memref_slice %arg17[%mul3A_249] : memref<512xi32, #tpu.memory_space<vmem>> -> memref<64xi32, #tpu.memory_space<vmem>>
      %dma_wait3A_269 = arith.constant 0 : i32
      %dma_wait3A_270 = arith.constant 0 : i32
      %dma_wait3A_271 = tpu.memref_slice %arg3[%dma_wait3A_269, %dma_wait3A_270] : memref<50000x128xf32, #tpu.memory_space<hbm>> -> memref<50000x128xf32, #tpu.memory_space<hbm>>
      %dma_wait3A_272 = tpu.memref_slice %arg22[%dma_wait3A_263] : memref<2x!tpu.dma_semaphore, #tpu.memory_space<semaphore_mem>> -> memref<1x!tpu.dma_semaphore, #tpu.memory_space<semaphore_mem>>
      %dma_wait3A_273 = tpu.memref_squeeze %dma_wait3A_272 : memref<1x!tpu.dma_semaphore, #tpu.memory_space<semaphore_mem>> -> memref<!tpu.dma_semaphore, #tpu.memory_space<semaphore_mem>>
      tpu.wait_indirect_dma semaphore(%dma_wait3A_273 : memref<!tpu.dma_semaphore, #tpu.memory_space<semaphore_mem>>) src(%dma_wait3A_271 : memref<50000x128xf32, #tpu.memory_space<hbm>>) dst(%dma_wait3A_267 : memref<64x128xf32, #tpu.memory_space<vmem>>)
      %dma_wait3A_274 = arith.constant 0 : i32
      %dma_wait3A_275 = arith.constant 0 : i32
      %dma_wait3A_276 = arith.constant 0 : i32
      %dma_wait3A_277 = arith.constant 0 : i32
      %dma_wait3A_278 = tpu.memref_slice %arg20[%dma_wait3A_274, %dma_wait3A_276, %dma_wait3A_277] : memref<2x64x128xf32, #tpu.memory_space<vmem>> -> memref<1x64x128xf32, #tpu.memory_space<vmem>>
      %dma_wait3A_279 = tpu.memref_squeeze %dma_wait3A_278 : memref<1x64x128xf32, #tpu.memory_space<vmem>> -> memref<64x128xf32, #tpu.memory_space<vmem>>
      %dma_wait3A_280 = tpu.memref_slice %arg14[%mul3A_249] : memref<512xi32, #tpu.memory_space<vmem>> -> memref<64xi32, #tpu.memory_space<vmem>>
      %dma_wait3A_281 = arith.constant 0 : i32
      %dma_wait3A_282 = arith.constant 0 : i32
      %dma_wait3A_283 = tpu.memref_slice %arg4[%dma_wait3A_281, %dma_wait3A_282] : memref<100000x128xf32, #tpu.memory_space<hbm>> -> memref<100000x128xf32, #tpu.memory_space<hbm>>
      %dma_wait3A_284 = tpu.memref_slice %arg22[%dma_wait3A_275] : memref<2x!tpu.dma_semaphore, #tpu.memory_space<semaphore_mem>> -> memref<1x!tpu.dma_semaphore, #tpu.memory_space<semaphore_mem>>
      %dma_wait3A_285 = tpu.memref_squeeze %dma_wait3A_284 : memref<1x!tpu.dma_semaphore, #tpu.memory_space<semaphore_mem>> -> memref<!tpu.dma_semaphore, #tpu.memory_space<semaphore_mem>>
      tpu.wait_indirect_dma semaphore(%dma_wait3A_285 : memref<!tpu.dma_semaphore, #tpu.memory_space<semaphore_mem>>) src(%dma_wait3A_283 : memref<100000x128xf32, #tpu.memory_space<hbm>>) dst(%dma_wait3A_279 : memref<64x128xf32, #tpu.memory_space<vmem>>)
      %dma_wait3A_286 = arith.constant 0 : i32
      %dma_wait3A_287 = arith.constant 0 : i32
      %dma_wait3A_288 = arith.constant 0 : i32
      %dma_wait3A_289 = arith.constant 0 : i32
      %dma_wait3A_290 = tpu.memref_slice %arg21[%dma_wait3A_286, %dma_wait3A_288, %dma_wait3A_289] : memref<2x64x128xf32, #tpu.memory_space<vmem>> -> memref<1x64x128xf32, #tpu.memory_space<vmem>>
      %dma_wait3A_291 = tpu.memref_squeeze %dma_wait3A_290 : memref<1x64x128xf32, #tpu.memory_space<vmem>> -> memref<64x128xf32, #tpu.memory_space<vmem>>
      %dma_wait3A_292 = tpu.memref_slice %arg15[%mul3A_249] : memref<512xi32, #tpu.memory_space<vmem>> -> memref<64xi32, #tpu.memory_space<vmem>>
      %dma_wait3A_293 = arith.constant 0 : i32
      %dma_wait3A_294 = arith.constant 0 : i32
      %dma_wait3A_295 = tpu.memref_slice %arg5[%dma_wait3A_293, %dma_wait3A_294] : memref<100000x128xf32, #tpu.memory_space<hbm>> -> memref<100000x128xf32, #tpu.memory_space<hbm>>
      %dma_wait3A_296 = tpu.memref_slice %arg22[%dma_wait3A_287] : memref<2x!tpu.dma_semaphore, #tpu.memory_space<semaphore_mem>> -> memref<1x!tpu.dma_semaphore, #tpu.memory_space<semaphore_mem>>
      %dma_wait3A_297 = tpu.memref_squeeze %dma_wait3A_296 : memref<1x!tpu.dma_semaphore, #tpu.memory_space<semaphore_mem>> -> memref<!tpu.dma_semaphore, #tpu.memory_space<semaphore_mem>>
      tpu.wait_indirect_dma semaphore(%dma_wait3A_297 : memref<!tpu.dma_semaphore, #tpu.memory_space<semaphore_mem>>) src(%dma_wait3A_295 : memref<100000x128xf32, #tpu.memory_space<hbm>>) dst(%dma_wait3A_291 : memref<64x128xf32, #tpu.memory_space<vmem>>)
      %mul3A_298 = arith.constant 64 : i32
      %mul3A_299 = arith.muli %add3A_247, %mul3A_298 : i32
      %add3A_300 = arith.addi %mul3A_2, %mul3A_299 : i32
      %dma_start3A_301 = arith.constant 0 : i32
      %dma_start3A_302 = arith.constant 0 : i32
      %dma_start3A_303 = arith.constant 0 : i32
      %dma_start3A_304 = arith.constant 0 : i32
      %dma_start3A_305 = tpu.memref_slice %arg18[%dma_start3A_301, %dma_start3A_303, %dma_start3A_304] : memref<2x64x128xf32, #tpu.memory_space<vmem>> -> memref<1x64x128xf32, #tpu.memory_space<vmem>>
      %dma_start3A_306 = tpu.memref_squeeze %dma_start3A_305 : memref<1x64x128xf32, #tpu.memory_space<vmem>> -> memref<64x128xf32, #tpu.memory_space<vmem>>
      %dma_start3A_307 = arith.constant 0 : i32
      %dma_start3A_308 = tpu.memref_slice %arg10[%add3A_300, %dma_start3A_307] : memref<16384x128xf32, #tpu.memory_space<hbm>> -> memref<64x128xf32, #tpu.memory_space<hbm>>
      %dma_start3A_309 = tpu.memref_slice %arg23[%dma_start3A_302] : memref<2x!tpu.dma_semaphore, #tpu.memory_space<semaphore_mem>> -> memref<1x!tpu.dma_semaphore, #tpu.memory_space<semaphore_mem>>
      %dma_start3A_310 = tpu.memref_squeeze %dma_start3A_309 : memref<1x!tpu.dma_semaphore, #tpu.memory_space<semaphore_mem>> -> memref<!tpu.dma_semaphore, #tpu.memory_space<semaphore_mem>>
      %dma_start3A_311 = arith.constant 0 : i32
      %dma_start3A_312 = tpu.memref_slice %arg10[%add3A_300, %dma_start3A_311] : memref<16384x128xf32, #tpu.memory_space<hbm>> -> memref<64x128xf32, #tpu.memory_space<hbm>>
      %dma_start3A_313 = arith.constant 0 : i32
      %dma_start3A_314 = arith.constant 0 : i32
      %dma_start3A_315 = tpu.memref_slice %arg18[%dma_start3A_301, %dma_start3A_313, %dma_start3A_314] : memref<2x64x128xf32, #tpu.memory_space<vmem>> -> memref<1x64x128xf32, #tpu.memory_space<vmem>>
      %dma_start3A_316 = tpu.memref_squeeze %dma_start3A_315 : memref<1x64x128xf32, #tpu.memory_space<vmem>> -> memref<64x128xf32, #tpu.memory_space<vmem>>
      tpu.enqueue_dma source(%dma_start3A_316 : memref<64x128xf32, #tpu.memory_space<vmem>>) target(%dma_start3A_312 : memref<64x128xf32, #tpu.memory_space<hbm>>) target_semaphore(%dma_start3A_310 : memref<!tpu.dma_semaphore, #tpu.memory_space<semaphore_mem>>)
      %dma_start3A_317 = arith.constant 0 : i32
      %dma_start3A_318 = arith.constant 0 : i32
      %dma_start3A_319 = arith.constant 0 : i32
      %dma_start3A_320 = arith.constant 0 : i32
      %dma_start3A_321 = tpu.memref_slice %arg19[%dma_start3A_317, %dma_start3A_319, %dma_start3A_320] : memref<2x64x128xf32, #tpu.memory_space<vmem>> -> memref<1x64x128xf32, #tpu.memory_space<vmem>>
      %dma_start3A_322 = tpu.memref_squeeze %dma_start3A_321 : memref<1x64x128xf32, #tpu.memory_space<vmem>> -> memref<64x128xf32, #tpu.memory_space<vmem>>
      %dma_start3A_323 = arith.constant 0 : i32
      %dma_start3A_324 = tpu.memref_slice %arg11[%add3A_300, %dma_start3A_323] : memref<16384x128xf32, #tpu.memory_space<hbm>> -> memref<64x128xf32, #tpu.memory_space<hbm>>
      %dma_start3A_325 = tpu.memref_slice %arg23[%dma_start3A_318] : memref<2x!tpu.dma_semaphore, #tpu.memory_space<semaphore_mem>> -> memref<1x!tpu.dma_semaphore, #tpu.memory_space<semaphore_mem>>
      %dma_start3A_326 = tpu.memref_squeeze %dma_start3A_325 : memref<1x!tpu.dma_semaphore, #tpu.memory_space<semaphore_mem>> -> memref<!tpu.dma_semaphore, #tpu.memory_space<semaphore_mem>>
      %dma_start3A_327 = arith.constant 0 : i32
      %dma_start3A_328 = tpu.memref_slice %arg11[%add3A_300, %dma_start3A_327] : memref<16384x128xf32, #tpu.memory_space<hbm>> -> memref<64x128xf32, #tpu.memory_space<hbm>>
      %dma_start3A_329 = arith.constant 0 : i32
      %dma_start3A_330 = arith.constant 0 : i32
      %dma_start3A_331 = tpu.memref_slice %arg19[%dma_start3A_317, %dma_start3A_329, %dma_start3A_330] : memref<2x64x128xf32, #tpu.memory_space<vmem>> -> memref<1x64x128xf32, #tpu.memory_space<vmem>>
      %dma_start3A_332 = tpu.memref_squeeze %dma_start3A_331 : memref<1x64x128xf32, #tpu.memory_space<vmem>> -> memref<64x128xf32, #tpu.memory_space<vmem>>
      tpu.enqueue_dma source(%dma_start3A_332 : memref<64x128xf32, #tpu.memory_space<vmem>>) target(%dma_start3A_328 : memref<64x128xf32, #tpu.memory_space<hbm>>) target_semaphore(%dma_start3A_326 : memref<!tpu.dma_semaphore, #tpu.memory_space<semaphore_mem>>)
      %dma_start3A_333 = arith.constant 0 : i32
      %dma_start3A_334 = arith.constant 0 : i32
      %dma_start3A_335 = arith.constant 0 : i32
      %dma_start3A_336 = arith.constant 0 : i32
      %dma_start3A_337 = tpu.memref_slice %arg20[%dma_start3A_333, %dma_start3A_335, %dma_start3A_336] : memref<2x64x128xf32, #tpu.memory_space<vmem>> -> memref<1x64x128xf32, #tpu.memory_space<vmem>>
      %dma_start3A_338 = tpu.memref_squeeze %dma_start3A_337 : memref<1x64x128xf32, #tpu.memory_space<vmem>> -> memref<64x128xf32, #tpu.memory_space<vmem>>
      %dma_start3A_339 = arith.constant 0 : i32
      %dma_start3A_340 = tpu.memref_slice %arg12[%add3A_300, %dma_start3A_339] : memref<16384x128xf32, #tpu.memory_space<hbm>> -> memref<64x128xf32, #tpu.memory_space<hbm>>
      %dma_start3A_341 = tpu.memref_slice %arg23[%dma_start3A_334] : memref<2x!tpu.dma_semaphore, #tpu.memory_space<semaphore_mem>> -> memref<1x!tpu.dma_semaphore, #tpu.memory_space<semaphore_mem>>
      %dma_start3A_342 = tpu.memref_squeeze %dma_start3A_341 : memref<1x!tpu.dma_semaphore, #tpu.memory_space<semaphore_mem>> -> memref<!tpu.dma_semaphore, #tpu.memory_space<semaphore_mem>>
      %dma_start3A_343 = arith.constant 0 : i32
      %dma_start3A_344 = tpu.memref_slice %arg12[%add3A_300, %dma_start3A_343] : memref<16384x128xf32, #tpu.memory_space<hbm>> -> memref<64x128xf32, #tpu.memory_space<hbm>>
      %dma_start3A_345 = arith.constant 0 : i32
      %dma_start3A_346 = arith.constant 0 : i32
      %dma_start3A_347 = tpu.memref_slice %arg20[%dma_start3A_333, %dma_start3A_345, %dma_start3A_346] : memref<2x64x128xf32, #tpu.memory_space<vmem>> -> memref<1x64x128xf32, #tpu.memory_space<vmem>>
      %dma_start3A_348 = tpu.memref_squeeze %dma_start3A_347 : memref<1x64x128xf32, #tpu.memory_space<vmem>> -> memref<64x128xf32, #tpu.memory_space<vmem>>
      tpu.enqueue_dma source(%dma_start3A_348 : memref<64x128xf32, #tpu.memory_space<vmem>>) target(%dma_start3A_344 : memref<64x128xf32, #tpu.memory_space<hbm>>) target_semaphore(%dma_start3A_342 : memref<!tpu.dma_semaphore, #tpu.memory_space<semaphore_mem>>)
      %dma_start3A_349 = arith.constant 0 : i32
      %dma_start3A_350 = arith.constant 0 : i32
      %dma_start3A_351 = arith.constant 0 : i32
      %dma_start3A_352 = arith.constant 0 : i32
      %dma_start3A_353 = tpu.memref_slice %arg21[%dma_start3A_349, %dma_start3A_351, %dma_start3A_352] : memref<2x64x128xf32, #tpu.memory_space<vmem>> -> memref<1x64x128xf32, #tpu.memory_space<vmem>>
      %dma_start3A_354 = tpu.memref_squeeze %dma_start3A_353 : memref<1x64x128xf32, #tpu.memory_space<vmem>> -> memref<64x128xf32, #tpu.memory_space<vmem>>
      %dma_start3A_355 = arith.constant 0 : i32
      %dma_start3A_356 = tpu.memref_slice %arg13[%add3A_300, %dma_start3A_355] : memref<16384x128xf32, #tpu.memory_space<hbm>> -> memref<64x128xf32, #tpu.memory_space<hbm>>
      %dma_start3A_357 = tpu.memref_slice %arg23[%dma_start3A_350] : memref<2x!tpu.dma_semaphore, #tpu.memory_space<semaphore_mem>> -> memref<1x!tpu.dma_semaphore, #tpu.memory_space<semaphore_mem>>
      %dma_start3A_358 = tpu.memref_squeeze %dma_start3A_357 : memref<1x!tpu.dma_semaphore, #tpu.memory_space<semaphore_mem>> -> memref<!tpu.dma_semaphore, #tpu.memory_space<semaphore_mem>>
      %dma_start3A_359 = arith.constant 0 : i32
      %dma_start3A_360 = tpu.memref_slice %arg13[%add3A_300, %dma_start3A_359] : memref<16384x128xf32, #tpu.memory_space<hbm>> -> memref<64x128xf32, #tpu.memory_space<hbm>>
      %dma_start3A_361 = arith.constant 0 : i32
      %dma_start3A_362 = arith.constant 0 : i32
      %dma_start3A_363 = tpu.memref_slice %arg21[%dma_start3A_349, %dma_start3A_361, %dma_start3A_362] : memref<2x64x128xf32, #tpu.memory_space<vmem>> -> memref<1x64x128xf32, #tpu.memory_space<vmem>>
      %dma_start3A_364 = tpu.memref_squeeze %dma_start3A_363 : memref<1x64x128xf32, #tpu.memory_space<vmem>> -> memref<64x128xf32, #tpu.memory_space<vmem>>
      tpu.enqueue_dma source(%dma_start3A_364 : memref<64x128xf32, #tpu.memory_space<vmem>>) target(%dma_start3A_360 : memref<64x128xf32, #tpu.memory_space<hbm>>) target_semaphore(%dma_start3A_358 : memref<!tpu.dma_semaphore, #tpu.memory_space<semaphore_mem>>)
      %add3A_365 = arith.constant 2 : i32
      %add3A_366 = arith.addi %add3A_247, %add3A_365 : i32
      %lt3A = arith.constant 8 : i32
      %lt3A_367 = arith.cmpi slt, %add3A_366, %lt3A : i32
      %convert_element_type3A = arith.extui %lt3A_367 : i1 to i32
      %cond3A = arith.constant 0 : i32
      %cond3A_368 = arith.cmpi ne, %convert_element_type3A, %cond3A : i32
      scf.if %cond3A_368 {
        %mul3A_495 = arith.constant 64 : i32
        %mul3A_496 = arith.muli %add3A_247, %mul3A_495 : i32
        %add3A_497 = arith.addi %mul3A_2, %mul3A_496 : i32
        %dma_wait3A_498 = arith.constant 0 : i32
        %dma_wait3A_499 = arith.constant 0 : i32
        %dma_wait3A_500 = arith.constant 0 : i32
        %dma_wait3A_501 = arith.constant 0 : i32
        %dma_wait3A_502 = tpu.memref_slice %arg18[%dma_wait3A_498, %dma_wait3A_500, %dma_wait3A_501] : memref<2x64x128xf32, #tpu.memory_space<vmem>> -> memref<1x64x128xf32, #tpu.memory_space<vmem>>
        %dma_wait3A_503 = tpu.memref_squeeze %dma_wait3A_502 : memref<1x64x128xf32, #tpu.memory_space<vmem>> -> memref<64x128xf32, #tpu.memory_space<vmem>>
        %dma_wait3A_504 = arith.constant 0 : i32
        %dma_wait3A_505 = tpu.memref_slice %arg10[%add3A_497, %dma_wait3A_504] : memref<16384x128xf32, #tpu.memory_space<hbm>> -> memref<64x128xf32, #tpu.memory_space<hbm>>
        %dma_wait3A_506 = tpu.memref_slice %arg23[%dma_wait3A_499] : memref<2x!tpu.dma_semaphore, #tpu.memory_space<semaphore_mem>> -> memref<1x!tpu.dma_semaphore, #tpu.memory_space<semaphore_mem>>
        %dma_wait3A_507 = tpu.memref_squeeze %dma_wait3A_506 : memref<1x!tpu.dma_semaphore, #tpu.memory_space<semaphore_mem>> -> memref<!tpu.dma_semaphore, #tpu.memory_space<semaphore_mem>>
        %dma_wait3A_508 = arith.constant 0 : i32
        %dma_wait3A_509 = tpu.memref_slice %arg10[%add3A_497, %dma_wait3A_508] : memref<16384x128xf32, #tpu.memory_space<hbm>> -> memref<64x128xf32, #tpu.memory_space<hbm>>
        %dma_wait3A_510 = arith.constant 0 : i32
        %dma_wait3A_511 = arith.constant 0 : i32
        %dma_wait3A_512 = tpu.memref_slice %arg18[%dma_wait3A_498, %dma_wait3A_510, %dma_wait3A_511] : memref<2x64x128xf32, #tpu.memory_space<vmem>> -> memref<1x64x128xf32, #tpu.memory_space<vmem>>
        %dma_wait3A_513 = tpu.memref_squeeze %dma_wait3A_512 : memref<1x64x128xf32, #tpu.memory_space<vmem>> -> memref<64x128xf32, #tpu.memory_space<vmem>>
        tpu.wait_dma2 semaphore(%dma_wait3A_507 : memref<!tpu.dma_semaphore, #tpu.memory_space<semaphore_mem>>) src(%dma_wait3A_513 : memref<64x128xf32, #tpu.memory_space<vmem>>) dst(%dma_wait3A_509 : memref<64x128xf32, #tpu.memory_space<hbm>>)
        %dma_wait3A_514 = arith.constant 0 : i32
        %dma_wait3A_515 = arith.constant 0 : i32
        %dma_wait3A_516 = arith.constant 0 : i32
        %dma_wait3A_517 = arith.constant 0 : i32
        %dma_wait3A_518 = tpu.memref_slice %arg19[%dma_wait3A_514, %dma_wait3A_516, %dma_wait3A_517] : memref<2x64x128xf32, #tpu.memory_space<vmem>> -> memref<1x64x128xf32, #tpu.memory_space<vmem>>
        %dma_wait3A_519 = tpu.memref_squeeze %dma_wait3A_518 : memref<1x64x128xf32, #tpu.memory_space<vmem>> -> memref<64x128xf32, #tpu.memory_space<vmem>>
        %dma_wait3A_520 = arith.constant 0 : i32
        %dma_wait3A_521 = tpu.memref_slice %arg11[%add3A_497, %dma_wait3A_520] : memref<16384x128xf32, #tpu.memory_space<hbm>> -> memref<64x128xf32, #tpu.memory_space<hbm>>
        %dma_wait3A_522 = tpu.memref_slice %arg23[%dma_wait3A_515] : memref<2x!tpu.dma_semaphore, #tpu.memory_space<semaphore_mem>> -> memref<1x!tpu.dma_semaphore, #tpu.memory_space<semaphore_mem>>
        %dma_wait3A_523 = tpu.memref_squeeze %dma_wait3A_522 : memref<1x!tpu.dma_semaphore, #tpu.memory_space<semaphore_mem>> -> memref<!tpu.dma_semaphore, #tpu.memory_space<semaphore_mem>>
        %dma_wait3A_524 = arith.constant 0 : i32
        %dma_wait3A_525 = tpu.memref_slice %arg11[%add3A_497, %dma_wait3A_524] : memref<16384x128xf32, #tpu.memory_space<hbm>> -> memref<64x128xf32, #tpu.memory_space<hbm>>
        %dma_wait3A_526 = arith.constant 0 : i32
        %dma_wait3A_527 = arith.constant 0 : i32
        %dma_wait3A_528 = tpu.memref_slice %arg19[%dma_wait3A_514, %dma_wait3A_526, %dma_wait3A_527] : memref<2x64x128xf32, #tpu.memory_space<vmem>> -> memref<1x64x128xf32, #tpu.memory_space<vmem>>
        %dma_wait3A_529 = tpu.memref_squeeze %dma_wait3A_528 : memref<1x64x128xf32, #tpu.memory_space<vmem>> -> memref<64x128xf32, #tpu.memory_space<vmem>>
        tpu.wait_dma2 semaphore(%dma_wait3A_523 : memref<!tpu.dma_semaphore, #tpu.memory_space<semaphore_mem>>) src(%dma_wait3A_529 : memref<64x128xf32, #tpu.memory_space<vmem>>) dst(%dma_wait3A_525 : memref<64x128xf32, #tpu.memory_space<hbm>>)
        %dma_wait3A_530 = arith.constant 0 : i32
        %dma_wait3A_531 = arith.constant 0 : i32
        %dma_wait3A_532 = arith.constant 0 : i32
        %dma_wait3A_533 = arith.constant 0 : i32
        %dma_wait3A_534 = tpu.memref_slice %arg20[%dma_wait3A_530, %dma_wait3A_532, %dma_wait3A_533] : memref<2x64x128xf32, #tpu.memory_space<vmem>> -> memref<1x64x128xf32, #tpu.memory_space<vmem>>
        %dma_wait3A_535 = tpu.memref_squeeze %dma_wait3A_534 : memref<1x64x128xf32, #tpu.memory_space<vmem>> -> memref<64x128xf32, #tpu.memory_space<vmem>>
        %dma_wait3A_536 = arith.constant 0 : i32
        %dma_wait3A_537 = tpu.memref_slice %arg12[%add3A_497, %dma_wait3A_536] : memref<16384x128xf32, #tpu.memory_space<hbm>> -> memref<64x128xf32, #tpu.memory_space<hbm>>
        %dma_wait3A_538 = tpu.memref_slice %arg23[%dma_wait3A_531] : memref<2x!tpu.dma_semaphore, #tpu.memory_space<semaphore_mem>> -> memref<1x!tpu.dma_semaphore, #tpu.memory_space<semaphore_mem>>
        %dma_wait3A_539 = tpu.memref_squeeze %dma_wait3A_538 : memref<1x!tpu.dma_semaphore, #tpu.memory_space<semaphore_mem>> -> memref<!tpu.dma_semaphore, #tpu.memory_space<semaphore_mem>>
        %dma_wait3A_540 = arith.constant 0 : i32
        %dma_wait3A_541 = tpu.memref_slice %arg12[%add3A_497, %dma_wait3A_540] : memref<16384x128xf32, #tpu.memory_space<hbm>> -> memref<64x128xf32, #tpu.memory_space<hbm>>
        %dma_wait3A_542 = arith.constant 0 : i32
        %dma_wait3A_543 = arith.constant 0 : i32
        %dma_wait3A_544 = tpu.memref_slice %arg20[%dma_wait3A_530, %dma_wait3A_542, %dma_wait3A_543] : memref<2x64x128xf32, #tpu.memory_space<vmem>> -> memref<1x64x128xf32, #tpu.memory_space<vmem>>
        %dma_wait3A_545 = tpu.memref_squeeze %dma_wait3A_544 : memref<1x64x128xf32, #tpu.memory_space<vmem>> -> memref<64x128xf32, #tpu.memory_space<vmem>>
        tpu.wait_dma2 semaphore(%dma_wait3A_539 : memref<!tpu.dma_semaphore, #tpu.memory_space<semaphore_mem>>) src(%dma_wait3A_545 : memref<64x128xf32, #tpu.memory_space<vmem>>) dst(%dma_wait3A_541 : memref<64x128xf32, #tpu.memory_space<hbm>>)
        %dma_wait3A_546 = arith.constant 0 : i32
        %dma_wait3A_547 = arith.constant 0 : i32
        %dma_wait3A_548 = arith.constant 0 : i32
        %dma_wait3A_549 = arith.constant 0 : i32
        %dma_wait3A_550 = tpu.memref_slice %arg21[%dma_wait3A_546, %dma_wait3A_548, %dma_wait3A_549] : memref<2x64x128xf32, #tpu.memory_space<vmem>> -> memref<1x64x128xf32, #tpu.memory_space<vmem>>
        %dma_wait3A_551 = tpu.memref_squeeze %dma_wait3A_550 : memref<1x64x128xf32, #tpu.memory_space<vmem>> -> memref<64x128xf32, #tpu.memory_space<vmem>>
        %dma_wait3A_552 = arith.constant 0 : i32
        %dma_wait3A_553 = tpu.memref_slice %arg13[%add3A_497, %dma_wait3A_552] : memref<16384x128xf32, #tpu.memory_space<hbm>> -> memref<64x128xf32, #tpu.memory_space<hbm>>
        %dma_wait3A_554 = tpu.memref_slice %arg23[%dma_wait3A_547] : memref<2x!tpu.dma_semaphore, #tpu.memory_space<semaphore_mem>> -> memref<1x!tpu.dma_semaphore, #tpu.memory_space<semaphore_mem>>
        %dma_wait3A_555 = tpu.memref_squeeze %dma_wait3A_554 : memref<1x!tpu.dma_semaphore, #tpu.memory_space<semaphore_mem>> -> memref<!tpu.dma_semaphore, #tpu.memory_space<semaphore_mem>>
        %dma_wait3A_556 = arith.constant 0 : i32
        %dma_wait3A_557 = tpu.memref_slice %arg13[%add3A_497, %dma_wait3A_556] : memref<16384x128xf32, #tpu.memory_space<hbm>> -> memref<64x128xf32, #tpu.memory_space<hbm>>
        %dma_wait3A_558 = arith.constant 0 : i32
        %dma_wait3A_559 = arith.constant 0 : i32
        %dma_wait3A_560 = tpu.memref_slice %arg21[%dma_wait3A_546, %dma_wait3A_558, %dma_wait3A_559] : memref<2x64x128xf32, #tpu.memory_space<vmem>> -> memref<1x64x128xf32, #tpu.memory_space<vmem>>
        %dma_wait3A_561 = tpu.memref_squeeze %dma_wait3A_560 : memref<1x64x128xf32, #tpu.memory_space<vmem>> -> memref<64x128xf32, #tpu.memory_space<vmem>>
        tpu.wait_dma2 semaphore(%dma_wait3A_555 : memref<!tpu.dma_semaphore, #tpu.memory_space<semaphore_mem>>) src(%dma_wait3A_561 : memref<64x128xf32, #tpu.memory_space<vmem>>) dst(%dma_wait3A_557 : memref<64x128xf32, #tpu.memory_space<hbm>>)
        %mul3A_562 = arith.constant 64 : i32
        %mul3A_563 = arith.muli %add3A_366, %mul3A_562 : i32
        %dma_start3A_564 = arith.constant 0 : i32
        %dma_start3A_565 = arith.constant 0 : i32
        %dma_start3A_566 = arith.constant 0 : i32
        %dma_start3A_567 = arith.constant 0 : i32
        %dma_start3A_568 = tpu.memref_slice %arg18[%dma_start3A_564, %dma_start3A_566, %dma_start3A_567] : memref<2x64x128xf32, #tpu.memory_space<vmem>> -> memref<1x64x128xf32, #tpu.memory_space<vmem>>
        %dma_start3A_569 = tpu.memref_squeeze %dma_start3A_568 : memref<1x64x128xf32, #tpu.memory_space<vmem>> -> memref<64x128xf32, #tpu.memory_space<vmem>>
        %dma_start3A_570 = tpu.memref_slice %arg16[%mul3A_563] : memref<512xi32, #tpu.memory_space<vmem>> -> memref<64xi32, #tpu.memory_space<vmem>>
        %dma_start3A_571 = arith.constant 0 : i32
        %dma_start3A_572 = arith.constant 0 : i32
        %dma_start3A_573 = tpu.memref_slice %arg2[%dma_start3A_571, %dma_start3A_572] : memref<50000x128xf32, #tpu.memory_space<hbm>> -> memref<50000x128xf32, #tpu.memory_space<hbm>>
        %dma_start3A_574 = tpu.memref_slice %arg22[%dma_start3A_565] : memref<2x!tpu.dma_semaphore, #tpu.memory_space<semaphore_mem>> -> memref<1x!tpu.dma_semaphore, #tpu.memory_space<semaphore_mem>>
        %dma_start3A_575 = tpu.memref_squeeze %dma_start3A_574 : memref<1x!tpu.dma_semaphore, #tpu.memory_space<semaphore_mem>> -> memref<!tpu.dma_semaphore, #tpu.memory_space<semaphore_mem>>
        tpu.enqueue_indirect_dma source(%dma_start3A_573 : memref<50000x128xf32, #tpu.memory_space<hbm>>) target(%dma_start3A_569 : memref<64x128xf32, #tpu.memory_space<vmem>>) offsets(%dma_start3A_570 : memref<64xi32, #tpu.memory_space<vmem>>) semaphore(%dma_start3A_575 : memref<!tpu.dma_semaphore, #tpu.memory_space<semaphore_mem>>)
        %dma_start3A_576 = arith.constant 0 : i32
        %dma_start3A_577 = arith.constant 0 : i32
        %dma_start3A_578 = arith.constant 0 : i32
        %dma_start3A_579 = arith.constant 0 : i32
        %dma_start3A_580 = tpu.memref_slice %arg19[%dma_start3A_576, %dma_start3A_578, %dma_start3A_579] : memref<2x64x128xf32, #tpu.memory_space<vmem>> -> memref<1x64x128xf32, #tpu.memory_space<vmem>>
        %dma_start3A_581 = tpu.memref_squeeze %dma_start3A_580 : memref<1x64x128xf32, #tpu.memory_space<vmem>> -> memref<64x128xf32, #tpu.memory_space<vmem>>
        %dma_start3A_582 = tpu.memref_slice %arg17[%mul3A_563] : memref<512xi32, #tpu.memory_space<vmem>> -> memref<64xi32, #tpu.memory_space<vmem>>
        %dma_start3A_583 = arith.constant 0 : i32
        %dma_start3A_584 = arith.constant 0 : i32
        %dma_start3A_585 = tpu.memref_slice %arg3[%dma_start3A_583, %dma_start3A_584] : memref<50000x128xf32, #tpu.memory_space<hbm>> -> memref<50000x128xf32, #tpu.memory_space<hbm>>
        %dma_start3A_586 = tpu.memref_slice %arg22[%dma_start3A_577] : memref<2x!tpu.dma_semaphore, #tpu.memory_space<semaphore_mem>> -> memref<1x!tpu.dma_semaphore, #tpu.memory_space<semaphore_mem>>
        %dma_start3A_587 = tpu.memref_squeeze %dma_start3A_586 : memref<1x!tpu.dma_semaphore, #tpu.memory_space<semaphore_mem>> -> memref<!tpu.dma_semaphore, #tpu.memory_space<semaphore_mem>>
        tpu.enqueue_indirect_dma source(%dma_start3A_585 : memref<50000x128xf32, #tpu.memory_space<hbm>>) target(%dma_start3A_581 : memref<64x128xf32, #tpu.memory_space<vmem>>) offsets(%dma_start3A_582 : memref<64xi32, #tpu.memory_space<vmem>>) semaphore(%dma_start3A_587 : memref<!tpu.dma_semaphore, #tpu.memory_space<semaphore_mem>>)
        %dma_start3A_588 = arith.constant 0 : i32
        %dma_start3A_589 = arith.constant 0 : i32
        %dma_start3A_590 = arith.constant 0 : i32
        %dma_start3A_591 = arith.constant 0 : i32
        %dma_start3A_592 = tpu.memref_slice %arg20[%dma_start3A_588, %dma_start3A_590, %dma_start3A_591] : memref<2x64x128xf32, #tpu.memory_space<vmem>> -> memref<1x64x128xf32, #tpu.memory_space<vmem>>
        %dma_start3A_593 = tpu.memref_squeeze %dma_start3A_592 : memref<1x64x128xf32, #tpu.memory_space<vmem>> -> memref<64x128xf32, #tpu.memory_space<vmem>>
        %dma_start3A_594 = tpu.memref_slice %arg14[%mul3A_563] : memref<512xi32, #tpu.memory_space<vmem>> -> memref<64xi32, #tpu.memory_space<vmem>>
        %dma_start3A_595 = arith.constant 0 : i32
        %dma_start3A_596 = arith.constant 0 : i32
        %dma_start3A_597 = tpu.memref_slice %arg4[%dma_start3A_595, %dma_start3A_596] : memref<100000x128xf32, #tpu.memory_space<hbm>> -> memref<100000x128xf32, #tpu.memory_space<hbm>>
        %dma_start3A_598 = tpu.memref_slice %arg22[%dma_start3A_589] : memref<2x!tpu.dma_semaphore, #tpu.memory_space<semaphore_mem>> -> memref<1x!tpu.dma_semaphore, #tpu.memory_space<semaphore_mem>>
        %dma_start3A_599 = tpu.memref_squeeze %dma_start3A_598 : memref<1x!tpu.dma_semaphore, #tpu.memory_space<semaphore_mem>> -> memref<!tpu.dma_semaphore, #tpu.memory_space<semaphore_mem>>
        tpu.enqueue_indirect_dma source(%dma_start3A_597 : memref<100000x128xf32, #tpu.memory_space<hbm>>) target(%dma_start3A_593 : memref<64x128xf32, #tpu.memory_space<vmem>>) offsets(%dma_start3A_594 : memref<64xi32, #tpu.memory_space<vmem>>) semaphore(%dma_start3A_599 : memref<!tpu.dma_semaphore, #tpu.memory_space<semaphore_mem>>)
        %dma_start3A_600 = arith.constant 0 : i32
        %dma_start3A_601 = arith.constant 0 : i32
        %dma_start3A_602 = arith.constant 0 : i32
        %dma_start3A_603 = arith.constant 0 : i32
        %dma_start3A_604 = tpu.memref_slice %arg21[%dma_start3A_600, %dma_start3A_602, %dma_start3A_603] : memref<2x64x128xf32, #tpu.memory_space<vmem>> -> memref<1x64x128xf32, #tpu.memory_space<vmem>>
        %dma_start3A_605 = tpu.memref_squeeze %dma_start3A_604 : memref<1x64x128xf32, #tpu.memory_space<vmem>> -> memref<64x128xf32, #tpu.memory_space<vmem>>
        %dma_start3A_606 = tpu.memref_slice %arg15[%mul3A_563] : memref<512xi32, #tpu.memory_space<vmem>> -> memref<64xi32, #tpu.memory_space<vmem>>
        %dma_start3A_607 = arith.constant 0 : i32
        %dma_start3A_608 = arith.constant 0 : i32
        %dma_start3A_609 = tpu.memref_slice %arg5[%dma_start3A_607, %dma_start3A_608] : memref<100000x128xf32, #tpu.memory_space<hbm>> -> memref<100000x128xf32, #tpu.memory_space<hbm>>
        %dma_start3A_610 = tpu.memref_slice %arg22[%dma_start3A_601] : memref<2x!tpu.dma_semaphore, #tpu.memory_space<semaphore_mem>> -> memref<1x!tpu.dma_semaphore, #tpu.memory_space<semaphore_mem>>
        %dma_start3A_611 = tpu.memref_squeeze %dma_start3A_610 : memref<1x!tpu.dma_semaphore, #tpu.memory_space<semaphore_mem>> -> memref<!tpu.dma_semaphore, #tpu.memory_space<semaphore_mem>>
        tpu.enqueue_indirect_dma source(%dma_start3A_609 : memref<100000x128xf32, #tpu.memory_space<hbm>>) target(%dma_start3A_605 : memref<64x128xf32, #tpu.memory_space<vmem>>) offsets(%dma_start3A_606 : memref<64xi32, #tpu.memory_space<vmem>>) semaphore(%dma_start3A_611 : memref<!tpu.dma_semaphore, #tpu.memory_space<semaphore_mem>>)
      } else {
      }
      %add3A_369 = arith.constant 1 : i32
      %add3A_370 = arith.addi %add3A_245, %add3A_369 : i32
      %mul3A_371 = arith.constant 64 : i32
      %mul3A_372 = arith.muli %add3A_370, %mul3A_371 : i32
      %dma_wait3A_373 = arith.constant 1 : i32
      %dma_wait3A_374 = arith.constant 1 : i32
      %dma_wait3A_375 = arith.constant 0 : i32
      %dma_wait3A_376 = arith.constant 0 : i32
      %dma_wait3A_377 = tpu.memref_slice %arg18[%dma_wait3A_373, %dma_wait3A_375, %dma_wait3A_376] : memref<2x64x128xf32, #tpu.memory_space<vmem>> -> memref<1x64x128xf32, #tpu.memory_space<vmem>>
      %dma_wait3A_378 = tpu.memref_squeeze %dma_wait3A_377 : memref<1x64x128xf32, #tpu.memory_space<vmem>> -> memref<64x128xf32, #tpu.memory_space<vmem>>
      %dma_wait3A_379 = tpu.memref_slice %arg16[%mul3A_372] : memref<512xi32, #tpu.memory_space<vmem>> -> memref<64xi32, #tpu.memory_space<vmem>>
      %dma_wait3A_380 = arith.constant 0 : i32
      %dma_wait3A_381 = arith.constant 0 : i32
      %dma_wait3A_382 = tpu.memref_slice %arg2[%dma_wait3A_380, %dma_wait3A_381] : memref<50000x128xf32, #tpu.memory_space<hbm>> -> memref<50000x128xf32, #tpu.memory_space<hbm>>
      %dma_wait3A_383 = tpu.memref_slice %arg22[%dma_wait3A_374] : memref<2x!tpu.dma_semaphore, #tpu.memory_space<semaphore_mem>> -> memref<1x!tpu.dma_semaphore, #tpu.memory_space<semaphore_mem>>
      %dma_wait3A_384 = tpu.memref_squeeze %dma_wait3A_383 : memref<1x!tpu.dma_semaphore, #tpu.memory_space<semaphore_mem>> -> memref<!tpu.dma_semaphore, #tpu.memory_space<semaphore_mem>>
      tpu.wait_indirect_dma semaphore(%dma_wait3A_384 : memref<!tpu.dma_semaphore, #tpu.memory_space<semaphore_mem>>) src(%dma_wait3A_382 : memref<50000x128xf32, #tpu.memory_space<hbm>>) dst(%dma_wait3A_378 : memref<64x128xf32, #tpu.memory_space<vmem>>)
      %dma_wait3A_385 = arith.constant 1 : i32
      %dma_wait3A_386 = arith.constant 1 : i32
      %dma_wait3A_387 = arith.constant 0 : i32
      %dma_wait3A_388 = arith.constant 0 : i32
      %dma_wait3A_389 = tpu.memref_slice %arg19[%dma_wait3A_385, %dma_wait3A_387, %dma_wait3A_388] : memref<2x64x128xf32, #tpu.memory_space<vmem>> -> memref<1x64x128xf32, #tpu.memory_space<vmem>>
      %dma_wait3A_390 = tpu.memref_squeeze %dma_wait3A_389 : memref<1x64x128xf32, #tpu.memory_space<vmem>> -> memref<64x128xf32, #tpu.memory_space<vmem>>
      %dma_wait3A_391 = tpu.memref_slice %arg17[%mul3A_372] : memref<512xi32, #tpu.memory_space<vmem>> -> memref<64xi32, #tpu.memory_space<vmem>>
      %dma_wait3A_392 = arith.constant 0 : i32
      %dma_wait3A_393 = arith.constant 0 : i32
      %dma_wait3A_394 = tpu.memref_slice %arg3[%dma_wait3A_392, %dma_wait3A_393] : memref<50000x128xf32, #tpu.memory_space<hbm>> -> memref<50000x128xf32, #tpu.memory_space<hbm>>
      %dma_wait3A_395 = tpu.memref_slice %arg22[%dma_wait3A_386] : memref<2x!tpu.dma_semaphore, #tpu.memory_space<semaphore_mem>> -> memref<1x!tpu.dma_semaphore, #tpu.memory_space<semaphore_mem>>
      %dma_wait3A_396 = tpu.memref_squeeze %dma_wait3A_395 : memref<1x!tpu.dma_semaphore, #tpu.memory_space<semaphore_mem>> -> memref<!tpu.dma_semaphore, #tpu.memory_space<semaphore_mem>>
      tpu.wait_indirect_dma semaphore(%dma_wait3A_396 : memref<!tpu.dma_semaphore, #tpu.memory_space<semaphore_mem>>) src(%dma_wait3A_394 : memref<50000x128xf32, #tpu.memory_space<hbm>>) dst(%dma_wait3A_390 : memref<64x128xf32, #tpu.memory_space<vmem>>)
      %dma_wait3A_397 = arith.constant 1 : i32
      %dma_wait3A_398 = arith.constant 1 : i32
      %dma_wait3A_399 = arith.constant 0 : i32
      %dma_wait3A_400 = arith.constant 0 : i32
      %dma_wait3A_401 = tpu.memref_slice %arg20[%dma_wait3A_397, %dma_wait3A_399, %dma_wait3A_400] : memref<2x64x128xf32, #tpu.memory_space<vmem>> -> memref<1x64x128xf32, #tpu.memory_space<vmem>>
      %dma_wait3A_402 = tpu.memref_squeeze %dma_wait3A_401 : memref<1x64x128xf32, #tpu.memory_space<vmem>> -> memref<64x128xf32, #tpu.memory_space<vmem>>
      %dma_wait3A_403 = tpu.memref_slice %arg14[%mul3A_372] : memref<512xi32, #tpu.memory_space<vmem>> -> memref<64xi32, #tpu.memory_space<vmem>>
      %dma_wait3A_404 = arith.constant 0 : i32
      %dma_wait3A_405 = arith.constant 0 : i32
      %dma_wait3A_406 = tpu.memref_slice %arg4[%dma_wait3A_404, %dma_wait3A_405] : memref<100000x128xf32, #tpu.memory_space<hbm>> -> memref<100000x128xf32, #tpu.memory_space<hbm>>
      %dma_wait3A_407 = tpu.memref_slice %arg22[%dma_wait3A_398] : memref<2x!tpu.dma_semaphore, #tpu.memory_space<semaphore_mem>> -> memref<1x!tpu.dma_semaphore, #tpu.memory_space<semaphore_mem>>
      %dma_wait3A_408 = tpu.memref_squeeze %dma_wait3A_407 : memref<1x!tpu.dma_semaphore, #tpu.memory_space<semaphore_mem>> -> memref<!tpu.dma_semaphore, #tpu.memory_space<semaphore_mem>>
      tpu.wait_indirect_dma semaphore(%dma_wait3A_408 : memref<!tpu.dma_semaphore, #tpu.memory_space<semaphore_mem>>) src(%dma_wait3A_406 : memref<100000x128xf32, #tpu.memory_space<hbm>>) dst(%dma_wait3A_402 : memref<64x128xf32, #tpu.memory_space<vmem>>)
      %dma_wait3A_409 = arith.constant 1 : i32
      %dma_wait3A_410 = arith.constant 1 : i32
      %dma_wait3A_411 = arith.constant 0 : i32
      %dma_wait3A_412 = arith.constant 0 : i32
      %dma_wait3A_413 = tpu.memref_slice %arg21[%dma_wait3A_409, %dma_wait3A_411, %dma_wait3A_412] : memref<2x64x128xf32, #tpu.memory_space<vmem>> -> memref<1x64x128xf32, #tpu.memory_space<vmem>>
      %dma_wait3A_414 = tpu.memref_squeeze %dma_wait3A_413 : memref<1x64x128xf32, #tpu.memory_space<vmem>> -> memref<64x128xf32, #tpu.memory_space<vmem>>
      %dma_wait3A_415 = tpu.memref_slice %arg15[%mul3A_372] : memref<512xi32, #tpu.memory_space<vmem>> -> memref<64xi32, #tpu.memory_space<vmem>>
      %dma_wait3A_416 = arith.constant 0 : i32
      %dma_wait3A_417 = arith.constant 0 : i32
      %dma_wait3A_418 = tpu.memref_slice %arg5[%dma_wait3A_416, %dma_wait3A_417] : memref<100000x128xf32, #tpu.memory_space<hbm>> -> memref<100000x128xf32, #tpu.memory_space<hbm>>
      %dma_wait3A_419 = tpu.memref_slice %arg22[%dma_wait3A_410] : memref<2x!tpu.dma_semaphore, #tpu.memory_space<semaphore_mem>> -> memref<1x!tpu.dma_semaphore, #tpu.memory_space<semaphore_mem>>
      %dma_wait3A_420 = tpu.memref_squeeze %dma_wait3A_419 : memref<1x!tpu.dma_semaphore, #tpu.memory_space<semaphore_mem>> -> memref<!tpu.dma_semaphore, #tpu.memory_space<semaphore_mem>>
      tpu.wait_indirect_dma semaphore(%dma_wait3A_420 : memref<!tpu.dma_semaphore, #tpu.memory_space<semaphore_mem>>) src(%dma_wait3A_418 : memref<100000x128xf32, #tpu.memory_space<hbm>>) dst(%dma_wait3A_414 : memref<64x128xf32, #tpu.memory_space<vmem>>)
      %mul3A_421 = arith.constant 64 : i32
      %mul3A_422 = arith.muli %add3A_370, %mul3A_421 : i32
      %add3A_423 = arith.addi %mul3A_2, %mul3A_422 : i32
      %dma_start3A_424 = arith.constant 1 : i32
      %dma_start3A_425 = arith.constant 1 : i32
      %dma_start3A_426 = arith.constant 0 : i32
      %dma_start3A_427 = arith.constant 0 : i32
      %dma_start3A_428 = tpu.memref_slice %arg18[%dma_start3A_424, %dma_start3A_426, %dma_start3A_427] : memref<2x64x128xf32, #tpu.memory_space<vmem>> -> memref<1x64x128xf32, #tpu.memory_space<vmem>>
      %dma_start3A_429 = tpu.memref_squeeze %dma_start3A_428 : memref<1x64x128xf32, #tpu.memory_space<vmem>> -> memref<64x128xf32, #tpu.memory_space<vmem>>
      %dma_start3A_430 = arith.constant 0 : i32
      %dma_start3A_431 = tpu.memref_slice %arg10[%add3A_423, %dma_start3A_430] : memref<16384x128xf32, #tpu.memory_space<hbm>> -> memref<64x128xf32, #tpu.memory_space<hbm>>
      %dma_start3A_432 = tpu.memref_slice %arg23[%dma_start3A_425] : memref<2x!tpu.dma_semaphore, #tpu.memory_space<semaphore_mem>> -> memref<1x!tpu.dma_semaphore, #tpu.memory_space<semaphore_mem>>
      %dma_start3A_433 = tpu.memref_squeeze %dma_start3A_432 : memref<1x!tpu.dma_semaphore, #tpu.memory_space<semaphore_mem>> -> memref<!tpu.dma_semaphore, #tpu.memory_space<semaphore_mem>>
      %dma_start3A_434 = arith.constant 0 : i32
      %dma_start3A_435 = tpu.memref_slice %arg10[%add3A_423, %dma_start3A_434] : memref<16384x128xf32, #tpu.memory_space<hbm>> -> memref<64x128xf32, #tpu.memory_space<hbm>>
      %dma_start3A_436 = arith.constant 0 : i32
      %dma_start3A_437 = arith.constant 0 : i32
      %dma_start3A_438 = tpu.memref_slice %arg18[%dma_start3A_424, %dma_start3A_436, %dma_start3A_437] : memref<2x64x128xf32, #tpu.memory_space<vmem>> -> memref<1x64x128xf32, #tpu.memory_space<vmem>>
      %dma_start3A_439 = tpu.memref_squeeze %dma_start3A_438 : memref<1x64x128xf32, #tpu.memory_space<vmem>> -> memref<64x128xf32, #tpu.memory_space<vmem>>
      tpu.enqueue_dma source(%dma_start3A_439 : memref<64x128xf32, #tpu.memory_space<vmem>>) target(%dma_start3A_435 : memref<64x128xf32, #tpu.memory_space<hbm>>) target_semaphore(%dma_start3A_433 : memref<!tpu.dma_semaphore, #tpu.memory_space<semaphore_mem>>)
      %dma_start3A_440 = arith.constant 1 : i32
      %dma_start3A_441 = arith.constant 1 : i32
      %dma_start3A_442 = arith.constant 0 : i32
      %dma_start3A_443 = arith.constant 0 : i32
      %dma_start3A_444 = tpu.memref_slice %arg19[%dma_start3A_440, %dma_start3A_442, %dma_start3A_443] : memref<2x64x128xf32, #tpu.memory_space<vmem>> -> memref<1x64x128xf32, #tpu.memory_space<vmem>>
      %dma_start3A_445 = tpu.memref_squeeze %dma_start3A_444 : memref<1x64x128xf32, #tpu.memory_space<vmem>> -> memref<64x128xf32, #tpu.memory_space<vmem>>
      %dma_start3A_446 = arith.constant 0 : i32
      %dma_start3A_447 = tpu.memref_slice %arg11[%add3A_423, %dma_start3A_446] : memref<16384x128xf32, #tpu.memory_space<hbm>> -> memref<64x128xf32, #tpu.memory_space<hbm>>
      %dma_start3A_448 = tpu.memref_slice %arg23[%dma_start3A_441] : memref<2x!tpu.dma_semaphore, #tpu.memory_space<semaphore_mem>> -> memref<1x!tpu.dma_semaphore, #tpu.memory_space<semaphore_mem>>
      %dma_start3A_449 = tpu.memref_squeeze %dma_start3A_448 : memref<1x!tpu.dma_semaphore, #tpu.memory_space<semaphore_mem>> -> memref<!tpu.dma_semaphore, #tpu.memory_space<semaphore_mem>>
      %dma_start3A_450 = arith.constant 0 : i32
      %dma_start3A_451 = tpu.memref_slice %arg11[%add3A_423, %dma_start3A_450] : memref<16384x128xf32, #tpu.memory_space<hbm>> -> memref<64x128xf32, #tpu.memory_space<hbm>>
      %dma_start3A_452 = arith.constant 0 : i32
      %dma_start3A_453 = arith.constant 0 : i32
      %dma_start3A_454 = tpu.memref_slice %arg19[%dma_start3A_440, %dma_start3A_452, %dma_start3A_453] : memref<2x64x128xf32, #tpu.memory_space<vmem>> -> memref<1x64x128xf32, #tpu.memory_space<vmem>>
      %dma_start3A_455 = tpu.memref_squeeze %dma_start3A_454 : memref<1x64x128xf32, #tpu.memory_space<vmem>> -> memref<64x128xf32, #tpu.memory_space<vmem>>
      tpu.enqueue_dma source(%dma_start3A_455 : memref<64x128xf32, #tpu.memory_space<vmem>>) target(%dma_start3A_451 : memref<64x128xf32, #tpu.memory_space<hbm>>) target_semaphore(%dma_start3A_449 : memref<!tpu.dma_semaphore, #tpu.memory_space<semaphore_mem>>)
      %dma_start3A_456 = arith.constant 1 : i32
      %dma_start3A_457 = arith.constant 1 : i32
      %dma_start3A_458 = arith.constant 0 : i32
      %dma_start3A_459 = arith.constant 0 : i32
      %dma_start3A_460 = tpu.memref_slice %arg20[%dma_start3A_456, %dma_start3A_458, %dma_start3A_459] : memref<2x64x128xf32, #tpu.memory_space<vmem>> -> memref<1x64x128xf32, #tpu.memory_space<vmem>>
      %dma_start3A_461 = tpu.memref_squeeze %dma_start3A_460 : memref<1x64x128xf32, #tpu.memory_space<vmem>> -> memref<64x128xf32, #tpu.memory_space<vmem>>
      %dma_start3A_462 = arith.constant 0 : i32
      %dma_start3A_463 = tpu.memref_slice %arg12[%add3A_423, %dma_start3A_462] : memref<16384x128xf32, #tpu.memory_space<hbm>> -> memref<64x128xf32, #tpu.memory_space<hbm>>
      %dma_start3A_464 = tpu.memref_slice %arg23[%dma_start3A_457] : memref<2x!tpu.dma_semaphore, #tpu.memory_space<semaphore_mem>> -> memref<1x!tpu.dma_semaphore, #tpu.memory_space<semaphore_mem>>
      %dma_start3A_465 = tpu.memref_squeeze %dma_start3A_464 : memref<1x!tpu.dma_semaphore, #tpu.memory_space<semaphore_mem>> -> memref<!tpu.dma_semaphore, #tpu.memory_space<semaphore_mem>>
      %dma_start3A_466 = arith.constant 0 : i32
      %dma_start3A_467 = tpu.memref_slice %arg12[%add3A_423, %dma_start3A_466] : memref<16384x128xf32, #tpu.memory_space<hbm>> -> memref<64x128xf32, #tpu.memory_space<hbm>>
      %dma_start3A_468 = arith.constant 0 : i32
      %dma_start3A_469 = arith.constant 0 : i32
      %dma_start3A_470 = tpu.memref_slice %arg20[%dma_start3A_456, %dma_start3A_468, %dma_start3A_469] : memref<2x64x128xf32, #tpu.memory_space<vmem>> -> memref<1x64x128xf32, #tpu.memory_space<vmem>>
      %dma_start3A_471 = tpu.memref_squeeze %dma_start3A_470 : memref<1x64x128xf32, #tpu.memory_space<vmem>> -> memref<64x128xf32, #tpu.memory_space<vmem>>
      tpu.enqueue_dma source(%dma_start3A_471 : memref<64x128xf32, #tpu.memory_space<vmem>>) target(%dma_start3A_467 : memref<64x128xf32, #tpu.memory_space<hbm>>) target_semaphore(%dma_start3A_465 : memref<!tpu.dma_semaphore, #tpu.memory_space<semaphore_mem>>)
      %dma_start3A_472 = arith.constant 1 : i32
      %dma_start3A_473 = arith.constant 1 : i32
      %dma_start3A_474 = arith.constant 0 : i32
      %dma_start3A_475 = arith.constant 0 : i32
      %dma_start3A_476 = tpu.memref_slice %arg21[%dma_start3A_472, %dma_start3A_474, %dma_start3A_475] : memref<2x64x128xf32, #tpu.memory_space<vmem>> -> memref<1x64x128xf32, #tpu.memory_space<vmem>>
      %dma_start3A_477 = tpu.memref_squeeze %dma_start3A_476 : memref<1x64x128xf32, #tpu.memory_space<vmem>> -> memref<64x128xf32, #tpu.memory_space<vmem>>
      %dma_start3A_478 = arith.constant 0 : i32
      %dma_start3A_479 = tpu.memref_slice %arg13[%add3A_423, %dma_start3A_478] : memref<16384x128xf32, #tpu.memory_space<hbm>> -> memref<64x128xf32, #tpu.memory_space<hbm>>
      %dma_start3A_480 = tpu.memref_slice %arg23[%dma_start3A_473] : memref<2x!tpu.dma_semaphore, #tpu.memory_space<semaphore_mem>> -> memref<1x!tpu.dma_semaphore, #tpu.memory_space<semaphore_mem>>
      %dma_start3A_481 = tpu.memref_squeeze %dma_start3A_480 : memref<1x!tpu.dma_semaphore, #tpu.memory_space<semaphore_mem>> -> memref<!tpu.dma_semaphore, #tpu.memory_space<semaphore_mem>>
      %dma_start3A_482 = arith.constant 0 : i32
      %dma_start3A_483 = tpu.memref_slice %arg13[%add3A_423, %dma_start3A_482] : memref<16384x128xf32, #tpu.memory_space<hbm>> -> memref<64x128xf32, #tpu.memory_space<hbm>>
      %dma_start3A_484 = arith.constant 0 : i32
      %dma_start3A_485 = arith.constant 0 : i32
      %dma_start3A_486 = tpu.memref_slice %arg21[%dma_start3A_472, %dma_start3A_484, %dma_start3A_485] : memref<2x64x128xf32, #tpu.memory_space<vmem>> -> memref<1x64x128xf32, #tpu.memory_space<vmem>>
      %dma_start3A_487 = tpu.memref_squeeze %dma_start3A_486 : memref<1x64x128xf32, #tpu.memory_space<vmem>> -> memref<64x128xf32, #tpu.memory_space<vmem>>
      tpu.enqueue_dma source(%dma_start3A_487 : memref<64x128xf32, #tpu.memory_space<vmem>>) target(%dma_start3A_483 : memref<64x128xf32, #tpu.memory_space<hbm>>) target_semaphore(%dma_start3A_481 : memref<!tpu.dma_semaphore, #tpu.memory_space<semaphore_mem>>)
      %add3A_488 = arith.constant 2 : i32
      %add3A_489 = arith.addi %add3A_370, %add3A_488 : i32
      %lt3A_490 = arith.constant 8 : i32
      %lt3A_491 = arith.cmpi slt, %add3A_489, %lt3A_490 : i32
      %convert_element_type3A_492 = arith.extui %lt3A_491 : i1 to i32
      %cond3A_493 = arith.constant 0 : i32
      %cond3A_494 = arith.cmpi ne, %convert_element_type3A_492, %cond3A_493 : i32
      scf.if %cond3A_494 {
        %mul3A_495 = arith.constant 64 : i32
        %mul3A_496 = arith.muli %add3A_370, %mul3A_495 : i32
        %add3A_497 = arith.addi %mul3A_2, %mul3A_496 : i32
        %dma_wait3A_498 = arith.constant 1 : i32
        %dma_wait3A_499 = arith.constant 1 : i32
        %dma_wait3A_500 = arith.constant 0 : i32
        %dma_wait3A_501 = arith.constant 0 : i32
        %dma_wait3A_502 = tpu.memref_slice %arg18[%dma_wait3A_498, %dma_wait3A_500, %dma_wait3A_501] : memref<2x64x128xf32, #tpu.memory_space<vmem>> -> memref<1x64x128xf32, #tpu.memory_space<vmem>>
        %dma_wait3A_503 = tpu.memref_squeeze %dma_wait3A_502 : memref<1x64x128xf32, #tpu.memory_space<vmem>> -> memref<64x128xf32, #tpu.memory_space<vmem>>
        %dma_wait3A_504 = arith.constant 0 : i32
        %dma_wait3A_505 = tpu.memref_slice %arg10[%add3A_497, %dma_wait3A_504] : memref<16384x128xf32, #tpu.memory_space<hbm>> -> memref<64x128xf32, #tpu.memory_space<hbm>>
        %dma_wait3A_506 = tpu.memref_slice %arg23[%dma_wait3A_499] : memref<2x!tpu.dma_semaphore, #tpu.memory_space<semaphore_mem>> -> memref<1x!tpu.dma_semaphore, #tpu.memory_space<semaphore_mem>>
        %dma_wait3A_507 = tpu.memref_squeeze %dma_wait3A_506 : memref<1x!tpu.dma_semaphore, #tpu.memory_space<semaphore_mem>> -> memref<!tpu.dma_semaphore, #tpu.memory_space<semaphore_mem>>
        %dma_wait3A_508 = arith.constant 0 : i32
        %dma_wait3A_509 = tpu.memref_slice %arg10[%add3A_497, %dma_wait3A_508] : memref<16384x128xf32, #tpu.memory_space<hbm>> -> memref<64x128xf32, #tpu.memory_space<hbm>>
        %dma_wait3A_510 = arith.constant 0 : i32
        %dma_wait3A_511 = arith.constant 0 : i32
        %dma_wait3A_512 = tpu.memref_slice %arg18[%dma_wait3A_498, %dma_wait3A_510, %dma_wait3A_511] : memref<2x64x128xf32, #tpu.memory_space<vmem>> -> memref<1x64x128xf32, #tpu.memory_space<vmem>>
        %dma_wait3A_513 = tpu.memref_squeeze %dma_wait3A_512 : memref<1x64x128xf32, #tpu.memory_space<vmem>> -> memref<64x128xf32, #tpu.memory_space<vmem>>
        tpu.wait_dma2 semaphore(%dma_wait3A_507 : memref<!tpu.dma_semaphore, #tpu.memory_space<semaphore_mem>>) src(%dma_wait3A_513 : memref<64x128xf32, #tpu.memory_space<vmem>>) dst(%dma_wait3A_509 : memref<64x128xf32, #tpu.memory_space<hbm>>)
        %dma_wait3A_514 = arith.constant 1 : i32
        %dma_wait3A_515 = arith.constant 1 : i32
        %dma_wait3A_516 = arith.constant 0 : i32
        %dma_wait3A_517 = arith.constant 0 : i32
        %dma_wait3A_518 = tpu.memref_slice %arg19[%dma_wait3A_514, %dma_wait3A_516, %dma_wait3A_517] : memref<2x64x128xf32, #tpu.memory_space<vmem>> -> memref<1x64x128xf32, #tpu.memory_space<vmem>>
        %dma_wait3A_519 = tpu.memref_squeeze %dma_wait3A_518 : memref<1x64x128xf32, #tpu.memory_space<vmem>> -> memref<64x128xf32, #tpu.memory_space<vmem>>
        %dma_wait3A_520 = arith.constant 0 : i32
        %dma_wait3A_521 = tpu.memref_slice %arg11[%add3A_497, %dma_wait3A_520] : memref<16384x128xf32, #tpu.memory_space<hbm>> -> memref<64x128xf32, #tpu.memory_space<hbm>>
        %dma_wait3A_522 = tpu.memref_slice %arg23[%dma_wait3A_515] : memref<2x!tpu.dma_semaphore, #tpu.memory_space<semaphore_mem>> -> memref<1x!tpu.dma_semaphore, #tpu.memory_space<semaphore_mem>>
        %dma_wait3A_523 = tpu.memref_squeeze %dma_wait3A_522 : memref<1x!tpu.dma_semaphore, #tpu.memory_space<semaphore_mem>> -> memref<!tpu.dma_semaphore, #tpu.memory_space<semaphore_mem>>
        %dma_wait3A_524 = arith.constant 0 : i32
        %dma_wait3A_525 = tpu.memref_slice %arg11[%add3A_497, %dma_wait3A_524] : memref<16384x128xf32, #tpu.memory_space<hbm>> -> memref<64x128xf32, #tpu.memory_space<hbm>>
        %dma_wait3A_526 = arith.constant 0 : i32
        %dma_wait3A_527 = arith.constant 0 : i32
        %dma_wait3A_528 = tpu.memref_slice %arg19[%dma_wait3A_514, %dma_wait3A_526, %dma_wait3A_527] : memref<2x64x128xf32, #tpu.memory_space<vmem>> -> memref<1x64x128xf32, #tpu.memory_space<vmem>>
        %dma_wait3A_529 = tpu.memref_squeeze %dma_wait3A_528 : memref<1x64x128xf32, #tpu.memory_space<vmem>> -> memref<64x128xf32, #tpu.memory_space<vmem>>
        tpu.wait_dma2 semaphore(%dma_wait3A_523 : memref<!tpu.dma_semaphore, #tpu.memory_space<semaphore_mem>>) src(%dma_wait3A_529 : memref<64x128xf32, #tpu.memory_space<vmem>>) dst(%dma_wait3A_525 : memref<64x128xf32, #tpu.memory_space<hbm>>)
        %dma_wait3A_530 = arith.constant 1 : i32
        %dma_wait3A_531 = arith.constant 1 : i32
        %dma_wait3A_532 = arith.constant 0 : i32
        %dma_wait3A_533 = arith.constant 0 : i32
        %dma_wait3A_534 = tpu.memref_slice %arg20[%dma_wait3A_530, %dma_wait3A_532, %dma_wait3A_533] : memref<2x64x128xf32, #tpu.memory_space<vmem>> -> memref<1x64x128xf32, #tpu.memory_space<vmem>>
        %dma_wait3A_535 = tpu.memref_squeeze %dma_wait3A_534 : memref<1x64x128xf32, #tpu.memory_space<vmem>> -> memref<64x128xf32, #tpu.memory_space<vmem>>
        %dma_wait3A_536 = arith.constant 0 : i32
        %dma_wait3A_537 = tpu.memref_slice %arg12[%add3A_497, %dma_wait3A_536] : memref<16384x128xf32, #tpu.memory_space<hbm>> -> memref<64x128xf32, #tpu.memory_space<hbm>>
        %dma_wait3A_538 = tpu.memref_slice %arg23[%dma_wait3A_531] : memref<2x!tpu.dma_semaphore, #tpu.memory_space<semaphore_mem>> -> memref<1x!tpu.dma_semaphore, #tpu.memory_space<semaphore_mem>>
        %dma_wait3A_539 = tpu.memref_squeeze %dma_wait3A_538 : memref<1x!tpu.dma_semaphore, #tpu.memory_space<semaphore_mem>> -> memref<!tpu.dma_semaphore, #tpu.memory_space<semaphore_mem>>
        %dma_wait3A_540 = arith.constant 0 : i32
        %dma_wait3A_541 = tpu.memref_slice %arg12[%add3A_497, %dma_wait3A_540] : memref<16384x128xf32, #tpu.memory_space<hbm>> -> memref<64x128xf32, #tpu.memory_space<hbm>>
        %dma_wait3A_542 = arith.constant 0 : i32
        %dma_wait3A_543 = arith.constant 0 : i32
        %dma_wait3A_544 = tpu.memref_slice %arg20[%dma_wait3A_530, %dma_wait3A_542, %dma_wait3A_543] : memref<2x64x128xf32, #tpu.memory_space<vmem>> -> memref<1x64x128xf32, #tpu.memory_space<vmem>>
        %dma_wait3A_545 = tpu.memref_squeeze %dma_wait3A_544 : memref<1x64x128xf32, #tpu.memory_space<vmem>> -> memref<64x128xf32, #tpu.memory_space<vmem>>
        tpu.wait_dma2 semaphore(%dma_wait3A_539 : memref<!tpu.dma_semaphore, #tpu.memory_space<semaphore_mem>>) src(%dma_wait3A_545 : memref<64x128xf32, #tpu.memory_space<vmem>>) dst(%dma_wait3A_541 : memref<64x128xf32, #tpu.memory_space<hbm>>)
        %dma_wait3A_546 = arith.constant 1 : i32
        %dma_wait3A_547 = arith.constant 1 : i32
        %dma_wait3A_548 = arith.constant 0 : i32
        %dma_wait3A_549 = arith.constant 0 : i32
        %dma_wait3A_550 = tpu.memref_slice %arg21[%dma_wait3A_546, %dma_wait3A_548, %dma_wait3A_549] : memref<2x64x128xf32, #tpu.memory_space<vmem>> -> memref<1x64x128xf32, #tpu.memory_space<vmem>>
        %dma_wait3A_551 = tpu.memref_squeeze %dma_wait3A_550 : memref<1x64x128xf32, #tpu.memory_space<vmem>> -> memref<64x128xf32, #tpu.memory_space<vmem>>
        %dma_wait3A_552 = arith.constant 0 : i32
        %dma_wait3A_553 = tpu.memref_slice %arg13[%add3A_497, %dma_wait3A_552] : memref<16384x128xf32, #tpu.memory_space<hbm>> -> memref<64x128xf32, #tpu.memory_space<hbm>>
        %dma_wait3A_554 = tpu.memref_slice %arg23[%dma_wait3A_547] : memref<2x!tpu.dma_semaphore, #tpu.memory_space<semaphore_mem>> -> memref<1x!tpu.dma_semaphore, #tpu.memory_space<semaphore_mem>>
        %dma_wait3A_555 = tpu.memref_squeeze %dma_wait3A_554 : memref<1x!tpu.dma_semaphore, #tpu.memory_space<semaphore_mem>> -> memref<!tpu.dma_semaphore, #tpu.memory_space<semaphore_mem>>
        %dma_wait3A_556 = arith.constant 0 : i32
        %dma_wait3A_557 = tpu.memref_slice %arg13[%add3A_497, %dma_wait3A_556] : memref<16384x128xf32, #tpu.memory_space<hbm>> -> memref<64x128xf32, #tpu.memory_space<hbm>>
        %dma_wait3A_558 = arith.constant 0 : i32
        %dma_wait3A_559 = arith.constant 0 : i32
        %dma_wait3A_560 = tpu.memref_slice %arg21[%dma_wait3A_546, %dma_wait3A_558, %dma_wait3A_559] : memref<2x64x128xf32, #tpu.memory_space<vmem>> -> memref<1x64x128xf32, #tpu.memory_space<vmem>>
        %dma_wait3A_561 = tpu.memref_squeeze %dma_wait3A_560 : memref<1x64x128xf32, #tpu.memory_space<vmem>> -> memref<64x128xf32, #tpu.memory_space<vmem>>
        tpu.wait_dma2 semaphore(%dma_wait3A_555 : memref<!tpu.dma_semaphore, #tpu.memory_space<semaphore_mem>>) src(%dma_wait3A_561 : memref<64x128xf32, #tpu.memory_space<vmem>>) dst(%dma_wait3A_557 : memref<64x128xf32, #tpu.memory_space<hbm>>)
        %mul3A_562 = arith.constant 64 : i32
        %mul3A_563 = arith.muli %add3A_489, %mul3A_562 : i32
        %dma_start3A_564 = arith.constant 1 : i32
        %dma_start3A_565 = arith.constant 1 : i32
        %dma_start3A_566 = arith.constant 0 : i32
        %dma_start3A_567 = arith.constant 0 : i32
        %dma_start3A_568 = tpu.memref_slice %arg18[%dma_start3A_564, %dma_start3A_566, %dma_start3A_567] : memref<2x64x128xf32, #tpu.memory_space<vmem>> -> memref<1x64x128xf32, #tpu.memory_space<vmem>>
        %dma_start3A_569 = tpu.memref_squeeze %dma_start3A_568 : memref<1x64x128xf32, #tpu.memory_space<vmem>> -> memref<64x128xf32, #tpu.memory_space<vmem>>
        %dma_start3A_570 = tpu.memref_slice %arg16[%mul3A_563] : memref<512xi32, #tpu.memory_space<vmem>> -> memref<64xi32, #tpu.memory_space<vmem>>
        %dma_start3A_571 = arith.constant 0 : i32
        %dma_start3A_572 = arith.constant 0 : i32
        %dma_start3A_573 = tpu.memref_slice %arg2[%dma_start3A_571, %dma_start3A_572] : memref<50000x128xf32, #tpu.memory_space<hbm>> -> memref<50000x128xf32, #tpu.memory_space<hbm>>
        %dma_start3A_574 = tpu.memref_slice %arg22[%dma_start3A_565] : memref<2x!tpu.dma_semaphore, #tpu.memory_space<semaphore_mem>> -> memref<1x!tpu.dma_semaphore, #tpu.memory_space<semaphore_mem>>
        %dma_start3A_575 = tpu.memref_squeeze %dma_start3A_574 : memref<1x!tpu.dma_semaphore, #tpu.memory_space<semaphore_mem>> -> memref<!tpu.dma_semaphore, #tpu.memory_space<semaphore_mem>>
        tpu.enqueue_indirect_dma source(%dma_start3A_573 : memref<50000x128xf32, #tpu.memory_space<hbm>>) target(%dma_start3A_569 : memref<64x128xf32, #tpu.memory_space<vmem>>) offsets(%dma_start3A_570 : memref<64xi32, #tpu.memory_space<vmem>>) semaphore(%dma_start3A_575 : memref<!tpu.dma_semaphore, #tpu.memory_space<semaphore_mem>>)
        %dma_start3A_576 = arith.constant 1 : i32
        %dma_start3A_577 = arith.constant 1 : i32
        %dma_start3A_578 = arith.constant 0 : i32
        %dma_start3A_579 = arith.constant 0 : i32
        %dma_start3A_580 = tpu.memref_slice %arg19[%dma_start3A_576, %dma_start3A_578, %dma_start3A_579] : memref<2x64x128xf32, #tpu.memory_space<vmem>> -> memref<1x64x128xf32, #tpu.memory_space<vmem>>
        %dma_start3A_581 = tpu.memref_squeeze %dma_start3A_580 : memref<1x64x128xf32, #tpu.memory_space<vmem>> -> memref<64x128xf32, #tpu.memory_space<vmem>>
        %dma_start3A_582 = tpu.memref_slice %arg17[%mul3A_563] : memref<512xi32, #tpu.memory_space<vmem>> -> memref<64xi32, #tpu.memory_space<vmem>>
        %dma_start3A_583 = arith.constant 0 : i32
        %dma_start3A_584 = arith.constant 0 : i32
        %dma_start3A_585 = tpu.memref_slice %arg3[%dma_start3A_583, %dma_start3A_584] : memref<50000x128xf32, #tpu.memory_space<hbm>> -> memref<50000x128xf32, #tpu.memory_space<hbm>>
        %dma_start3A_586 = tpu.memref_slice %arg22[%dma_start3A_577] : memref<2x!tpu.dma_semaphore, #tpu.memory_space<semaphore_mem>> -> memref<1x!tpu.dma_semaphore, #tpu.memory_space<semaphore_mem>>
        %dma_start3A_587 = tpu.memref_squeeze %dma_start3A_586 : memref<1x!tpu.dma_semaphore, #tpu.memory_space<semaphore_mem>> -> memref<!tpu.dma_semaphore, #tpu.memory_space<semaphore_mem>>
        tpu.enqueue_indirect_dma source(%dma_start3A_585 : memref<50000x128xf32, #tpu.memory_space<hbm>>) target(%dma_start3A_581 : memref<64x128xf32, #tpu.memory_space<vmem>>) offsets(%dma_start3A_582 : memref<64xi32, #tpu.memory_space<vmem>>) semaphore(%dma_start3A_587 : memref<!tpu.dma_semaphore, #tpu.memory_space<semaphore_mem>>)
        %dma_start3A_588 = arith.constant 1 : i32
        %dma_start3A_589 = arith.constant 1 : i32
        %dma_start3A_590 = arith.constant 0 : i32
        %dma_start3A_591 = arith.constant 0 : i32
        %dma_start3A_592 = tpu.memref_slice %arg20[%dma_start3A_588, %dma_start3A_590, %dma_start3A_591] : memref<2x64x128xf32, #tpu.memory_space<vmem>> -> memref<1x64x128xf32, #tpu.memory_space<vmem>>
        %dma_start3A_593 = tpu.memref_squeeze %dma_start3A_592 : memref<1x64x128xf32, #tpu.memory_space<vmem>> -> memref<64x128xf32, #tpu.memory_space<vmem>>
        %dma_start3A_594 = tpu.memref_slice %arg14[%mul3A_563] : memref<512xi32, #tpu.memory_space<vmem>> -> memref<64xi32, #tpu.memory_space<vmem>>
        %dma_start3A_595 = arith.constant 0 : i32
        %dma_start3A_596 = arith.constant 0 : i32
        %dma_start3A_597 = tpu.memref_slice %arg4[%dma_start3A_595, %dma_start3A_596] : memref<100000x128xf32, #tpu.memory_space<hbm>> -> memref<100000x128xf32, #tpu.memory_space<hbm>>
        %dma_start3A_598 = tpu.memref_slice %arg22[%dma_start3A_589] : memref<2x!tpu.dma_semaphore, #tpu.memory_space<semaphore_mem>> -> memref<1x!tpu.dma_semaphore, #tpu.memory_space<semaphore_mem>>
        %dma_start3A_599 = tpu.memref_squeeze %dma_start3A_598 : memref<1x!tpu.dma_semaphore, #tpu.memory_space<semaphore_mem>> -> memref<!tpu.dma_semaphore, #tpu.memory_space<semaphore_mem>>
        tpu.enqueue_indirect_dma source(%dma_start3A_597 : memref<100000x128xf32, #tpu.memory_space<hbm>>) target(%dma_start3A_593 : memref<64x128xf32, #tpu.memory_space<vmem>>) offsets(%dma_start3A_594 : memref<64xi32, #tpu.memory_space<vmem>>) semaphore(%dma_start3A_599 : memref<!tpu.dma_semaphore, #tpu.memory_space<semaphore_mem>>)
        %dma_start3A_600 = arith.constant 1 : i32
        %dma_start3A_601 = arith.constant 1 : i32
        %dma_start3A_602 = arith.constant 0 : i32
        %dma_start3A_603 = arith.constant 0 : i32
        %dma_start3A_604 = tpu.memref_slice %arg21[%dma_start3A_600, %dma_start3A_602, %dma_start3A_603] : memref<2x64x128xf32, #tpu.memory_space<vmem>> -> memref<1x64x128xf32, #tpu.memory_space<vmem>>
        %dma_start3A_605 = tpu.memref_squeeze %dma_start3A_604 : memref<1x64x128xf32, #tpu.memory_space<vmem>> -> memref<64x128xf32, #tpu.memory_space<vmem>>
        %dma_start3A_606 = tpu.memref_slice %arg15[%mul3A_563] : memref<512xi32, #tpu.memory_space<vmem>> -> memref<64xi32, #tpu.memory_space<vmem>>
        %dma_start3A_607 = arith.constant 0 : i32
        %dma_start3A_608 = arith.constant 0 : i32
        %dma_start3A_609 = tpu.memref_slice %arg5[%dma_start3A_607, %dma_start3A_608] : memref<100000x128xf32, #tpu.memory_space<hbm>> -> memref<100000x128xf32, #tpu.memory_space<hbm>>
        %dma_start3A_610 = tpu.memref_slice %arg22[%dma_start3A_601] : memref<2x!tpu.dma_semaphore, #tpu.memory_space<semaphore_mem>> -> memref<1x!tpu.dma_semaphore, #tpu.memory_space<semaphore_mem>>
        %dma_start3A_611 = tpu.memref_squeeze %dma_start3A_610 : memref<1x!tpu.dma_semaphore, #tpu.memory_space<semaphore_mem>> -> memref<!tpu.dma_semaphore, #tpu.memory_space<semaphore_mem>>
        tpu.enqueue_indirect_dma source(%dma_start3A_609 : memref<100000x128xf32, #tpu.memory_space<hbm>>) target(%dma_start3A_605 : memref<64x128xf32, #tpu.memory_space<vmem>>) offsets(%dma_start3A_606 : memref<64xi32, #tpu.memory_space<vmem>>) semaphore(%dma_start3A_611 : memref<!tpu.dma_semaphore, #tpu.memory_space<semaphore_mem>>)
      } else {
      }
    }
    %scan3A_109 = arith.constant 4 : i32
    %add3A_110 = arith.constant 384 : i32
    %add3A_111 = arith.addi %mul3A_2, %add3A_110 : i32
    %dma_wait3A = arith.constant 0 : i32
    %dma_wait3A_112 = arith.constant 0 : i32
    %dma_wait3A_113 = arith.constant 0 : i32
    %dma_wait3A_114 = arith.constant 0 : i32
    %dma_wait3A_115 = tpu.memref_slice %arg18[%dma_wait3A, %dma_wait3A_113, %dma_wait3A_114] : memref<2x64x128xf32, #tpu.memory_space<vmem>> -> memref<1x64x128xf32, #tpu.memory_space<vmem>>
    %dma_wait3A_116 = tpu.memref_squeeze %dma_wait3A_115 : memref<1x64x128xf32, #tpu.memory_space<vmem>> -> memref<64x128xf32, #tpu.memory_space<vmem>>
    %dma_wait3A_117 = arith.constant 0 : i32
    %dma_wait3A_118 = tpu.memref_slice %arg10[%add3A_111, %dma_wait3A_117] : memref<16384x128xf32, #tpu.memory_space<hbm>> -> memref<64x128xf32, #tpu.memory_space<hbm>>
    %dma_wait3A_119 = tpu.memref_slice %arg23[%dma_wait3A_112] : memref<2x!tpu.dma_semaphore, #tpu.memory_space<semaphore_mem>> -> memref<1x!tpu.dma_semaphore, #tpu.memory_space<semaphore_mem>>
    %dma_wait3A_120 = tpu.memref_squeeze %dma_wait3A_119 : memref<1x!tpu.dma_semaphore, #tpu.memory_space<semaphore_mem>> -> memref<!tpu.dma_semaphore, #tpu.memory_space<semaphore_mem>>
    %dma_wait3A_121 = arith.constant 0 : i32
    %dma_wait3A_122 = tpu.memref_slice %arg10[%add3A_111, %dma_wait3A_121] : memref<16384x128xf32, #tpu.memory_space<hbm>> -> memref<64x128xf32, #tpu.memory_space<hbm>>
    %dma_wait3A_123 = arith.constant 0 : i32
    %dma_wait3A_124 = arith.constant 0 : i32
    %dma_wait3A_125 = tpu.memref_slice %arg18[%dma_wait3A, %dma_wait3A_123, %dma_wait3A_124] : memref<2x64x128xf32, #tpu.memory_space<vmem>> -> memref<1x64x128xf32, #tpu.memory_space<vmem>>
    %dma_wait3A_126 = tpu.memref_squeeze %dma_wait3A_125 : memref<1x64x128xf32, #tpu.memory_space<vmem>> -> memref<64x128xf32, #tpu.memory_space<vmem>>
    tpu.wait_dma2 semaphore(%dma_wait3A_120 : memref<!tpu.dma_semaphore, #tpu.memory_space<semaphore_mem>>) src(%dma_wait3A_126 : memref<64x128xf32, #tpu.memory_space<vmem>>) dst(%dma_wait3A_122 : memref<64x128xf32, #tpu.memory_space<hbm>>)
    %dma_wait3A_127 = arith.constant 0 : i32
    %dma_wait3A_128 = arith.constant 0 : i32
    %dma_wait3A_129 = arith.constant 0 : i32
    %dma_wait3A_130 = arith.constant 0 : i32
    %dma_wait3A_131 = tpu.memref_slice %arg19[%dma_wait3A_127, %dma_wait3A_129, %dma_wait3A_130] : memref<2x64x128xf32, #tpu.memory_space<vmem>> -> memref<1x64x128xf32, #tpu.memory_space<vmem>>
    %dma_wait3A_132 = tpu.memref_squeeze %dma_wait3A_131 : memref<1x64x128xf32, #tpu.memory_space<vmem>> -> memref<64x128xf32, #tpu.memory_space<vmem>>
    %dma_wait3A_133 = arith.constant 0 : i32
    %dma_wait3A_134 = tpu.memref_slice %arg11[%add3A_111, %dma_wait3A_133] : memref<16384x128xf32, #tpu.memory_space<hbm>> -> memref<64x128xf32, #tpu.memory_space<hbm>>
    %dma_wait3A_135 = tpu.memref_slice %arg23[%dma_wait3A_128] : memref<2x!tpu.dma_semaphore, #tpu.memory_space<semaphore_mem>> -> memref<1x!tpu.dma_semaphore, #tpu.memory_space<semaphore_mem>>
    %dma_wait3A_136 = tpu.memref_squeeze %dma_wait3A_135 : memref<1x!tpu.dma_semaphore, #tpu.memory_space<semaphore_mem>> -> memref<!tpu.dma_semaphore, #tpu.memory_space<semaphore_mem>>
    %dma_wait3A_137 = arith.constant 0 : i32
    %dma_wait3A_138 = tpu.memref_slice %arg11[%add3A_111, %dma_wait3A_137] : memref<16384x128xf32, #tpu.memory_space<hbm>> -> memref<64x128xf32, #tpu.memory_space<hbm>>
    %dma_wait3A_139 = arith.constant 0 : i32
    %dma_wait3A_140 = arith.constant 0 : i32
    %dma_wait3A_141 = tpu.memref_slice %arg19[%dma_wait3A_127, %dma_wait3A_139, %dma_wait3A_140] : memref<2x64x128xf32, #tpu.memory_space<vmem>> -> memref<1x64x128xf32, #tpu.memory_space<vmem>>
    %dma_wait3A_142 = tpu.memref_squeeze %dma_wait3A_141 : memref<1x64x128xf32, #tpu.memory_space<vmem>> -> memref<64x128xf32, #tpu.memory_space<vmem>>
    tpu.wait_dma2 semaphore(%dma_wait3A_136 : memref<!tpu.dma_semaphore, #tpu.memory_space<semaphore_mem>>) src(%dma_wait3A_142 : memref<64x128xf32, #tpu.memory_space<vmem>>) dst(%dma_wait3A_138 : memref<64x128xf32, #tpu.memory_space<hbm>>)
    %dma_wait3A_143 = arith.constant 0 : i32
    %dma_wait3A_144 = arith.constant 0 : i32
    %dma_wait3A_145 = arith.constant 0 : i32
    %dma_wait3A_146 = arith.constant 0 : i32
    %dma_wait3A_147 = tpu.memref_slice %arg20[%dma_wait3A_143, %dma_wait3A_145, %dma_wait3A_146] : memref<2x64x128xf32, #tpu.memory_space<vmem>> -> memref<1x64x128xf32, #tpu.memory_space<vmem>>
    %dma_wait3A_148 = tpu.memref_squeeze %dma_wait3A_147 : memref<1x64x128xf32, #tpu.memory_space<vmem>> -> memref<64x128xf32, #tpu.memory_space<vmem>>
    %dma_wait3A_149 = arith.constant 0 : i32
    %dma_wait3A_150 = tpu.memref_slice %arg12[%add3A_111, %dma_wait3A_149] : memref<16384x128xf32, #tpu.memory_space<hbm>> -> memref<64x128xf32, #tpu.memory_space<hbm>>
    %dma_wait3A_151 = tpu.memref_slice %arg23[%dma_wait3A_144] : memref<2x!tpu.dma_semaphore, #tpu.memory_space<semaphore_mem>> -> memref<1x!tpu.dma_semaphore, #tpu.memory_space<semaphore_mem>>
    %dma_wait3A_152 = tpu.memref_squeeze %dma_wait3A_151 : memref<1x!tpu.dma_semaphore, #tpu.memory_space<semaphore_mem>> -> memref<!tpu.dma_semaphore, #tpu.memory_space<semaphore_mem>>
    %dma_wait3A_153 = arith.constant 0 : i32
    %dma_wait3A_154 = tpu.memref_slice %arg12[%add3A_111, %dma_wait3A_153] : memref<16384x128xf32, #tpu.memory_space<hbm>> -> memref<64x128xf32, #tpu.memory_space<hbm>>
    %dma_wait3A_155 = arith.constant 0 : i32
    %dma_wait3A_156 = arith.constant 0 : i32
    %dma_wait3A_157 = tpu.memref_slice %arg20[%dma_wait3A_143, %dma_wait3A_155, %dma_wait3A_156] : memref<2x64x128xf32, #tpu.memory_space<vmem>> -> memref<1x64x128xf32, #tpu.memory_space<vmem>>
    %dma_wait3A_158 = tpu.memref_squeeze %dma_wait3A_157 : memref<1x64x128xf32, #tpu.memory_space<vmem>> -> memref<64x128xf32, #tpu.memory_space<vmem>>
    tpu.wait_dma2 semaphore(%dma_wait3A_152 : memref<!tpu.dma_semaphore, #tpu.memory_space<semaphore_mem>>) src(%dma_wait3A_158 : memref<64x128xf32, #tpu.memory_space<vmem>>) dst(%dma_wait3A_154 : memref<64x128xf32, #tpu.memory_space<hbm>>)
    %dma_wait3A_159 = arith.constant 0 : i32
    %dma_wait3A_160 = arith.constant 0 : i32
    %dma_wait3A_161 = arith.constant 0 : i32
    %dma_wait3A_162 = arith.constant 0 : i32
    %dma_wait3A_163 = tpu.memref_slice %arg21[%dma_wait3A_159, %dma_wait3A_161, %dma_wait3A_162] : memref<2x64x128xf32, #tpu.memory_space<vmem>> -> memref<1x64x128xf32, #tpu.memory_space<vmem>>
    %dma_wait3A_164 = tpu.memref_squeeze %dma_wait3A_163 : memref<1x64x128xf32, #tpu.memory_space<vmem>> -> memref<64x128xf32, #tpu.memory_space<vmem>>
    %dma_wait3A_165 = arith.constant 0 : i32
    %dma_wait3A_166 = tpu.memref_slice %arg13[%add3A_111, %dma_wait3A_165] : memref<16384x128xf32, #tpu.memory_space<hbm>> -> memref<64x128xf32, #tpu.memory_space<hbm>>
    %dma_wait3A_167 = tpu.memref_slice %arg23[%dma_wait3A_160] : memref<2x!tpu.dma_semaphore, #tpu.memory_space<semaphore_mem>> -> memref<1x!tpu.dma_semaphore, #tpu.memory_space<semaphore_mem>>
    %dma_wait3A_168 = tpu.memref_squeeze %dma_wait3A_167 : memref<1x!tpu.dma_semaphore, #tpu.memory_space<semaphore_mem>> -> memref<!tpu.dma_semaphore, #tpu.memory_space<semaphore_mem>>
    %dma_wait3A_169 = arith.constant 0 : i32
    %dma_wait3A_170 = tpu.memref_slice %arg13[%add3A_111, %dma_wait3A_169] : memref<16384x128xf32, #tpu.memory_space<hbm>> -> memref<64x128xf32, #tpu.memory_space<hbm>>
    %dma_wait3A_171 = arith.constant 0 : i32
    %dma_wait3A_172 = arith.constant 0 : i32
    %dma_wait3A_173 = tpu.memref_slice %arg21[%dma_wait3A_159, %dma_wait3A_171, %dma_wait3A_172] : memref<2x64x128xf32, #tpu.memory_space<vmem>> -> memref<1x64x128xf32, #tpu.memory_space<vmem>>
    %dma_wait3A_174 = tpu.memref_squeeze %dma_wait3A_173 : memref<1x64x128xf32, #tpu.memory_space<vmem>> -> memref<64x128xf32, #tpu.memory_space<vmem>>
    tpu.wait_dma2 semaphore(%dma_wait3A_168 : memref<!tpu.dma_semaphore, #tpu.memory_space<semaphore_mem>>) src(%dma_wait3A_174 : memref<64x128xf32, #tpu.memory_space<vmem>>) dst(%dma_wait3A_170 : memref<64x128xf32, #tpu.memory_space<hbm>>)
    %add3A_175 = arith.constant 448 : i32
    %add3A_176 = arith.addi %mul3A_2, %add3A_175 : i32
    %dma_wait3A_177 = arith.constant 1 : i32
    %dma_wait3A_178 = arith.constant 1 : i32
    %dma_wait3A_179 = arith.constant 0 : i32
    %dma_wait3A_180 = arith.constant 0 : i32
    %dma_wait3A_181 = tpu.memref_slice %arg18[%dma_wait3A_177, %dma_wait3A_179, %dma_wait3A_180] : memref<2x64x128xf32, #tpu.memory_space<vmem>> -> memref<1x64x128xf32, #tpu.memory_space<vmem>>
    %dma_wait3A_182 = tpu.memref_squeeze %dma_wait3A_181 : memref<1x64x128xf32, #tpu.memory_space<vmem>> -> memref<64x128xf32, #tpu.memory_space<vmem>>
    %dma_wait3A_183 = arith.constant 0 : i32
    %dma_wait3A_184 = tpu.memref_slice %arg10[%add3A_176, %dma_wait3A_183] : memref<16384x128xf32, #tpu.memory_space<hbm>> -> memref<64x128xf32, #tpu.memory_space<hbm>>
    %dma_wait3A_185 = tpu.memref_slice %arg23[%dma_wait3A_178] : memref<2x!tpu.dma_semaphore, #tpu.memory_space<semaphore_mem>> -> memref<1x!tpu.dma_semaphore, #tpu.memory_space<semaphore_mem>>
    %dma_wait3A_186 = tpu.memref_squeeze %dma_wait3A_185 : memref<1x!tpu.dma_semaphore, #tpu.memory_space<semaphore_mem>> -> memref<!tpu.dma_semaphore, #tpu.memory_space<semaphore_mem>>
    %dma_wait3A_187 = arith.constant 0 : i32
    %dma_wait3A_188 = tpu.memref_slice %arg10[%add3A_176, %dma_wait3A_187] : memref<16384x128xf32, #tpu.memory_space<hbm>> -> memref<64x128xf32, #tpu.memory_space<hbm>>
    %dma_wait3A_189 = arith.constant 0 : i32
    %dma_wait3A_190 = arith.constant 0 : i32
    %dma_wait3A_191 = tpu.memref_slice %arg18[%dma_wait3A_177, %dma_wait3A_189, %dma_wait3A_190] : memref<2x64x128xf32, #tpu.memory_space<vmem>> -> memref<1x64x128xf32, #tpu.memory_space<vmem>>
    %dma_wait3A_192 = tpu.memref_squeeze %dma_wait3A_191 : memref<1x64x128xf32, #tpu.memory_space<vmem>> -> memref<64x128xf32, #tpu.memory_space<vmem>>
    tpu.wait_dma2 semaphore(%dma_wait3A_186 : memref<!tpu.dma_semaphore, #tpu.memory_space<semaphore_mem>>) src(%dma_wait3A_192 : memref<64x128xf32, #tpu.memory_space<vmem>>) dst(%dma_wait3A_188 : memref<64x128xf32, #tpu.memory_space<hbm>>)
    %dma_wait3A_193 = arith.constant 1 : i32
    %dma_wait3A_194 = arith.constant 1 : i32
    %dma_wait3A_195 = arith.constant 0 : i32
    %dma_wait3A_196 = arith.constant 0 : i32
    %dma_wait3A_197 = tpu.memref_slice %arg19[%dma_wait3A_193, %dma_wait3A_195, %dma_wait3A_196] : memref<2x64x128xf32, #tpu.memory_space<vmem>> -> memref<1x64x128xf32, #tpu.memory_space<vmem>>
    %dma_wait3A_198 = tpu.memref_squeeze %dma_wait3A_197 : memref<1x64x128xf32, #tpu.memory_space<vmem>> -> memref<64x128xf32, #tpu.memory_space<vmem>>
    %dma_wait3A_199 = arith.constant 0 : i32
    %dma_wait3A_200 = tpu.memref_slice %arg11[%add3A_176, %dma_wait3A_199] : memref<16384x128xf32, #tpu.memory_space<hbm>> -> memref<64x128xf32, #tpu.memory_space<hbm>>
    %dma_wait3A_201 = tpu.memref_slice %arg23[%dma_wait3A_194] : memref<2x!tpu.dma_semaphore, #tpu.memory_space<semaphore_mem>> -> memref<1x!tpu.dma_semaphore, #tpu.memory_space<semaphore_mem>>
    %dma_wait3A_202 = tpu.memref_squeeze %dma_wait3A_201 : memref<1x!tpu.dma_semaphore, #tpu.memory_space<semaphore_mem>> -> memref<!tpu.dma_semaphore, #tpu.memory_space<semaphore_mem>>
    %dma_wait3A_203 = arith.constant 0 : i32
    %dma_wait3A_204 = tpu.memref_slice %arg11[%add3A_176, %dma_wait3A_203] : memref<16384x128xf32, #tpu.memory_space<hbm>> -> memref<64x128xf32, #tpu.memory_space<hbm>>
    %dma_wait3A_205 = arith.constant 0 : i32
    %dma_wait3A_206 = arith.constant 0 : i32
    %dma_wait3A_207 = tpu.memref_slice %arg19[%dma_wait3A_193, %dma_wait3A_205, %dma_wait3A_206] : memref<2x64x128xf32, #tpu.memory_space<vmem>> -> memref<1x64x128xf32, #tpu.memory_space<vmem>>
    %dma_wait3A_208 = tpu.memref_squeeze %dma_wait3A_207 : memref<1x64x128xf32, #tpu.memory_space<vmem>> -> memref<64x128xf32, #tpu.memory_space<vmem>>
    tpu.wait_dma2 semaphore(%dma_wait3A_202 : memref<!tpu.dma_semaphore, #tpu.memory_space<semaphore_mem>>) src(%dma_wait3A_208 : memref<64x128xf32, #tpu.memory_space<vmem>>) dst(%dma_wait3A_204 : memref<64x128xf32, #tpu.memory_space<hbm>>)
    %dma_wait3A_209 = arith.constant 1 : i32
    %dma_wait3A_210 = arith.constant 1 : i32
    %dma_wait3A_211 = arith.constant 0 : i32
    %dma_wait3A_212 = arith.constant 0 : i32
    %dma_wait3A_213 = tpu.memref_slice %arg20[%dma_wait3A_209, %dma_wait3A_211, %dma_wait3A_212] : memref<2x64x128xf32, #tpu.memory_space<vmem>> -> memref<1x64x128xf32, #tpu.memory_space<vmem>>
    %dma_wait3A_214 = tpu.memref_squeeze %dma_wait3A_213 : memref<1x64x128xf32, #tpu.memory_space<vmem>> -> memref<64x128xf32, #tpu.memory_space<vmem>>
    %dma_wait3A_215 = arith.constant 0 : i32
    %dma_wait3A_216 = tpu.memref_slice %arg12[%add3A_176, %dma_wait3A_215] : memref<16384x128xf32, #tpu.memory_space<hbm>> -> memref<64x128xf32, #tpu.memory_space<hbm>>
    %dma_wait3A_217 = tpu.memref_slice %arg23[%dma_wait3A_210] : memref<2x!tpu.dma_semaphore, #tpu.memory_space<semaphore_mem>> -> memref<1x!tpu.dma_semaphore, #tpu.memory_space<semaphore_mem>>
    %dma_wait3A_218 = tpu.memref_squeeze %dma_wait3A_217 : memref<1x!tpu.dma_semaphore, #tpu.memory_space<semaphore_mem>> -> memref<!tpu.dma_semaphore, #tpu.memory_space<semaphore_mem>>
    %dma_wait3A_219 = arith.constant 0 : i32
    %dma_wait3A_220 = tpu.memref_slice %arg12[%add3A_176, %dma_wait3A_219] : memref<16384x128xf32, #tpu.memory_space<hbm>> -> memref<64x128xf32, #tpu.memory_space<hbm>>
    %dma_wait3A_221 = arith.constant 0 : i32
    %dma_wait3A_222 = arith.constant 0 : i32
    %dma_wait3A_223 = tpu.memref_slice %arg20[%dma_wait3A_209, %dma_wait3A_221, %dma_wait3A_222] : memref<2x64x128xf32, #tpu.memory_space<vmem>> -> memref<1x64x128xf32, #tpu.memory_space<vmem>>
    %dma_wait3A_224 = tpu.memref_squeeze %dma_wait3A_223 : memref<1x64x128xf32, #tpu.memory_space<vmem>> -> memref<64x128xf32, #tpu.memory_space<vmem>>
    tpu.wait_dma2 semaphore(%dma_wait3A_218 : memref<!tpu.dma_semaphore, #tpu.memory_space<semaphore_mem>>) src(%dma_wait3A_224 : memref<64x128xf32, #tpu.memory_space<vmem>>) dst(%dma_wait3A_220 : memref<64x128xf32, #tpu.memory_space<hbm>>)
    %dma_wait3A_225 = arith.constant 1 : i32
    %dma_wait3A_226 = arith.constant 1 : i32
    %dma_wait3A_227 = arith.constant 0 : i32
    %dma_wait3A_228 = arith.constant 0 : i32
    %dma_wait3A_229 = tpu.memref_slice %arg21[%dma_wait3A_225, %dma_wait3A_227, %dma_wait3A_228] : memref<2x64x128xf32, #tpu.memory_space<vmem>> -> memref<1x64x128xf32, #tpu.memory_space<vmem>>
    %dma_wait3A_230 = tpu.memref_squeeze %dma_wait3A_229 : memref<1x64x128xf32, #tpu.memory_space<vmem>> -> memref<64x128xf32, #tpu.memory_space<vmem>>
    %dma_wait3A_231 = arith.constant 0 : i32
    %dma_wait3A_232 = tpu.memref_slice %arg13[%add3A_176, %dma_wait3A_231] : memref<16384x128xf32, #tpu.memory_space<hbm>> -> memref<64x128xf32, #tpu.memory_space<hbm>>
    %dma_wait3A_233 = tpu.memref_slice %arg23[%dma_wait3A_226] : memref<2x!tpu.dma_semaphore, #tpu.memory_space<semaphore_mem>> -> memref<1x!tpu.dma_semaphore, #tpu.memory_space<semaphore_mem>>
    %dma_wait3A_234 = tpu.memref_squeeze %dma_wait3A_233 : memref<1x!tpu.dma_semaphore, #tpu.memory_space<semaphore_mem>> -> memref<!tpu.dma_semaphore, #tpu.memory_space<semaphore_mem>>
    %dma_wait3A_235 = arith.constant 0 : i32
    %dma_wait3A_236 = tpu.memref_slice %arg13[%add3A_176, %dma_wait3A_235] : memref<16384x128xf32, #tpu.memory_space<hbm>> -> memref<64x128xf32, #tpu.memory_space<hbm>>
    %dma_wait3A_237 = arith.constant 0 : i32
    %dma_wait3A_238 = arith.constant 0 : i32
    %dma_wait3A_239 = tpu.memref_slice %arg21[%dma_wait3A_225, %dma_wait3A_237, %dma_wait3A_238] : memref<2x64x128xf32, #tpu.memory_space<vmem>> -> memref<1x64x128xf32, #tpu.memory_space<vmem>>
    %dma_wait3A_240 = tpu.memref_squeeze %dma_wait3A_239 : memref<1x64x128xf32, #tpu.memory_space<vmem>> -> memref<64x128xf32, #tpu.memory_space<vmem>>
    tpu.wait_dma2 semaphore(%dma_wait3A_234 : memref<!tpu.dma_semaphore, #tpu.memory_space<semaphore_mem>>) src(%dma_wait3A_240 : memref<64x128xf32, #tpu.memory_space<vmem>>) dst(%dma_wait3A_236 : memref<64x128xf32, #tpu.memory_space<hbm>>)
    return
  }
}

module attributes {stable_mosaic.version = 14 : i64} {
  func.func @_tc_body(%arg0: i32, %arg1: memref<2048x128xf32, #tpu.memory_space<vmem>>, %arg2: memref<2048x128xf32, #tpu.memory_space<vmem>>, %arg3: memref<2048x128xf32, #tpu.memory_space<vmem>>, %arg4: memref<2048x128xf32, #tpu.memory_space<vmem>>, %arg5: memref<2048x1xi32, #tpu.memory_space<vmem>>, %arg6: memref<2048x1xi32, #tpu.memory_space<vmem>>, %arg7: memref<128x128xf32, #tpu.memory_space<vmem>>, %arg8: memref<128x128xf32, #tpu.memory_space<vmem>>, %arg9: memref<1x128xf32, #tpu.memory_space<vmem>>, %arg10: memref<128x64xf32, #tpu.memory_space<vmem>>, %arg11: memref<1x64xf32, #tpu.memory_space<vmem>>, %arg12: memref<1x64xf32, #tpu.memory_space<vmem>>, %arg13: memref<1x64xf32, #tpu.memory_space<vmem>>, %arg14: memref<1x1xf32, #tpu.memory_space<vmem>>, %arg15: memref<2048x1xf32, #tpu.memory_space<vmem>>) attributes {dimension_semantics = [#tpu.dimension_semantics<arbitrary>], iteration_bounds = array<i64: 8>, scalar_prefetch = 0 : i64, scratch_operands = 0 : i64, tpu.core_type = #tpu.core_type<tc>, window_params = [{transform_indices = @transform_0, window_bounds = array<i64: 2048, 128>}, {transform_indices = @transform_1, window_bounds = array<i64: 2048, 128>}, {transform_indices = @transform_2, window_bounds = array<i64: 2048, 128>}, {transform_indices = @transform_3, window_bounds = array<i64: 2048, 128>}, {transform_indices = @transform_4, window_bounds = array<i64: 2048, 1>}, {transform_indices = @transform_5, window_bounds = array<i64: 2048, 1>}, {pipeline_mode = #tpu.pipeline_mode<synchronous>, transform_indices = @transform_6, window_bounds = array<i64: 128, 128>}, {pipeline_mode = #tpu.pipeline_mode<synchronous>, transform_indices = @transform_7, window_bounds = array<i64: 128, 128>}, {pipeline_mode = #tpu.pipeline_mode<synchronous>, transform_indices = @transform_8, window_bounds = array<i64: 1, 128>}, {pipeline_mode = #tpu.pipeline_mode<synchronous>, transform_indices = @transform_9, window_bounds = array<i64: 128, 64>}, {pipeline_mode = #tpu.pipeline_mode<synchronous>, transform_indices = @transform_10, window_bounds = array<i64: 1, 64>}, {pipeline_mode = #tpu.pipeline_mode<synchronous>, transform_indices = @transform_11, window_bounds = array<i64: 1, 64>}, {pipeline_mode = #tpu.pipeline_mode<synchronous>, transform_indices = @transform_12, window_bounds = array<i64: 1, 64>}, {pipeline_mode = #tpu.pipeline_mode<synchronous>, transform_indices = @transform_13, window_bounds = array<i64: 1, 1>}, {transform_indices = @transform_14, window_bounds = array<i64: 2048, 1>}]} {
    %get3A = arith.constant 0 : index
    %get3A_0 = arith.constant 0 : index
    %get3A_1 = vector.load %arg3[%get3A, %get3A_0] : memref<2048x128xf32, #tpu.memory_space<vmem>>, vector<2048x128xf32>
    %get3A_2 = arith.constant 0 : index
    %get3A_3 = arith.constant 0 : index
    %get3A_4 = vector.load %arg7[%get3A_2, %get3A_3] : memref<128x128xf32, #tpu.memory_space<vmem>>, vector<128x128xf32>
    %dot_general3A = arith.constant dense<0.000000e+00> : vector<2048x128xf32>
    %dot_general3A_5 = tpu.matmul %get3A_1, %get3A_4, %dot_general3A {dimension_numbers = #tpu.dot_dimension_numbers<[1], [0], [0], [1], [0, 0, 1, 1], [], []>, precision = #tpu.contract_precision<fp32>, transpose_lhs_hint = false} : vector<2048x128xf32>, vector<128x128xf32>, vector<2048x128xf32> -> vector<2048x128xf32>
    %get3A_6 = arith.constant 0 : index
    %get3A_7 = arith.constant 0 : index
    %get3A_8 = vector.load %arg4[%get3A_6, %get3A_7] : memref<2048x128xf32, #tpu.memory_space<vmem>>, vector<2048x128xf32>
    %get3A_9 = arith.constant 0 : index
    %get3A_10 = arith.constant 0 : index
    %get3A_11 = vector.load %arg8[%get3A_9, %get3A_10] : memref<128x128xf32, #tpu.memory_space<vmem>>, vector<128x128xf32>
    %dot_general3A_12 = arith.constant dense<0.000000e+00> : vector<2048x128xf32>
    %dot_general3A_13 = tpu.matmul %get3A_8, %get3A_11, %dot_general3A_12 {dimension_numbers = #tpu.dot_dimension_numbers<[1], [0], [0], [1], [0, 0, 1, 1], [], []>, precision = #tpu.contract_precision<fp32>, transpose_lhs_hint = false} : vector<2048x128xf32>, vector<128x128xf32>, vector<2048x128xf32> -> vector<2048x128xf32>
    %add3A = arith.addf %dot_general3A_5, %dot_general3A_13 : vector<2048x128xf32>
    %get3A_14 = arith.constant 0 : index
    %get3A_15 = arith.constant 0 : index
    %get3A_16 = vector.load %arg9[%get3A_14, %get3A_15] : memref<1x128xf32, #tpu.memory_space<vmem>>, vector<1x128xf32>
    %add3A_17 = vector.broadcast %get3A_16 : vector<1x128xf32> to vector<2048x128xf32>
    %add3A_18 = arith.addf %add3A, %add3A_17 : vector<2048x128xf32>
    %max3A = arith.constant 0.000000e+00 : f32
    %max3A_19 = vector.broadcast %max3A : f32 to vector<2048x128xf32>
    %max3A_20 = arith.maximumf %add3A_18, %max3A_19 : vector<2048x128xf32>
    %get3A_21 = arith.constant 0 : index
    %get3A_22 = arith.constant 0 : index
    %get3A_23 = vector.load %arg10[%get3A_21, %get3A_22] : memref<128x64xf32, #tpu.memory_space<vmem>>, vector<128x64xf32>
    %dot_general3A_24 = arith.constant dense<0.000000e+00> : vector<2048x64xf32>
    %dot_general3A_25 = tpu.matmul %max3A_20, %get3A_23, %dot_general3A_24 {dimension_numbers = #tpu.dot_dimension_numbers<[1], [0], [0], [1], [0, 0, 1, 1], [], []>, precision = #tpu.contract_precision<fp32>, transpose_lhs_hint = false} : vector<2048x128xf32>, vector<128x64xf32>, vector<2048x64xf32> -> vector<2048x64xf32>
    %get3A_26 = arith.constant 0 : index
    %get3A_27 = arith.constant 0 : index
    %get3A_28 = vector.load %arg11[%get3A_26, %get3A_27] : memref<1x64xf32, #tpu.memory_space<vmem>>, vector<1x64xf32>
    %add3A_29 = vector.broadcast %get3A_28 : vector<1x64xf32> to vector<2048x64xf32>
    %add3A_30 = arith.addf %dot_general3A_25, %add3A_29 : vector<2048x64xf32>
    %max3A_31 = arith.constant 0.000000e+00 : f32
    %max3A_32 = vector.broadcast %max3A_31 : f32 to vector<2048x64xf32>
    %max3A_33 = arith.maximumf %add3A_30, %max3A_32 : vector<2048x64xf32>
    %get3A_34 = arith.constant 0 : index
    %get3A_35 = arith.constant 0 : index
    %get3A_36 = vector.load %arg1[%get3A_34, %get3A_35] : memref<2048x128xf32, #tpu.memory_space<vmem>>, vector<2048x128xf32>
    %get3A_37 = arith.constant 0 : index
    %get3A_38 = arith.constant 0 : index
    %get3A_39 = vector.load %arg2[%get3A_37, %get3A_38] : memref<2048x128xf32, #tpu.memory_space<vmem>>, vector<2048x128xf32>
    %get3A_40 = arith.constant 0 : index
    %get3A_41 = arith.constant 0 : index
    %get3A_42 = vector.load %arg5[%get3A_40, %get3A_41] : memref<2048x1xi32, #tpu.memory_space<vmem>>, vector<2048x1xi32>
    %eq3A = arith.constant 0 : i32
    %eq3A_43 = vector.broadcast %eq3A : i32 to vector<2048x1xi32>
    %eq3A_44 = arith.cmpi eq, %get3A_42, %eq3A_43 : vector<2048x1xi32>
    %slice3A = vector.extract_strided_slice %get3A_36 {offsets = [0, 0], sizes = [2048, 64], strides = [1, 1]} : vector<2048x128xf32> to vector<2048x64xf32>
    %slice3A_45 = vector.extract_strided_slice %get3A_36 {offsets = [0, 64], sizes = [2048, 64], strides = [1, 1]} : vector<2048x128xf32> to vector<2048x64xf32>
    %broadcast_in_dim3A = vector.shape_cast %eq3A_44 : vector<2048x1xi1> to vector<2048x1xi1>
    %broadcast_in_dim3A_46 = vector.broadcast %broadcast_in_dim3A : vector<2048x1xi1> to vector<2048x64xi1>
    %select_n3A = arith.select %broadcast_in_dim3A_46, %slice3A, %slice3A_45 : vector<2048x64xi1>, vector<2048x64xf32>
    %get3A_47 = arith.constant 0 : index
    %get3A_48 = arith.constant 0 : index
    %get3A_49 = vector.load %arg6[%get3A_47, %get3A_48] : memref<2048x1xi32, #tpu.memory_space<vmem>>, vector<2048x1xi32>
    %eq3A_50 = arith.constant 0 : i32
    %eq3A_51 = vector.broadcast %eq3A_50 : i32 to vector<2048x1xi32>
    %eq3A_52 = arith.cmpi eq, %get3A_49, %eq3A_51 : vector<2048x1xi32>
    %slice3A_53 = vector.extract_strided_slice %get3A_39 {offsets = [0, 0], sizes = [2048, 64], strides = [1, 1]} : vector<2048x128xf32> to vector<2048x64xf32>
    %slice3A_54 = vector.extract_strided_slice %get3A_39 {offsets = [0, 64], sizes = [2048, 64], strides = [1, 1]} : vector<2048x128xf32> to vector<2048x64xf32>
    %broadcast_in_dim3A_55 = vector.shape_cast %eq3A_52 : vector<2048x1xi1> to vector<2048x1xi1>
    %broadcast_in_dim3A_56 = vector.broadcast %broadcast_in_dim3A_55 : vector<2048x1xi1> to vector<2048x64xi1>
    %select_n3A_57 = arith.select %broadcast_in_dim3A_56, %slice3A_53, %slice3A_54 : vector<2048x64xi1>, vector<2048x64xf32>
    %mul3A = arith.mulf %select_n3A, %select_n3A_57 : vector<2048x64xf32>
    %get3A_58 = arith.constant 0 : index
    %get3A_59 = arith.constant 0 : index
    %get3A_60 = vector.load %arg12[%get3A_58, %get3A_59] : memref<1x64xf32, #tpu.memory_space<vmem>>, vector<1x64xf32>
    %mul3A_61 = vector.broadcast %get3A_60 : vector<1x64xf32> to vector<2048x64xf32>
    %mul3A_62 = arith.mulf %mul3A, %mul3A_61 : vector<2048x64xf32>
    %reduce_sum3A = arith.constant dense<0.000000e+00> : vector<2048xf32>
    %reduce_sum3A_63 = vector.multi_reduction <add>, %mul3A_62, %reduce_sum3A [1] : vector<2048x64xf32> to vector<2048xf32>
    %broadcast_in_dim3A_64 = vector.shape_cast %reduce_sum3A_63 : vector<2048xf32> to vector<2048x1xf32>
    %get3A_65 = arith.constant 0 : index
    %get3A_66 = arith.constant 0 : index
    %get3A_67 = vector.load %arg13[%get3A_65, %get3A_66] : memref<1x64xf32, #tpu.memory_space<vmem>>, vector<1x64xf32>
    %mul3A_68 = vector.broadcast %get3A_67 : vector<1x64xf32> to vector<2048x64xf32>
    %mul3A_69 = arith.mulf %max3A_33, %mul3A_68 : vector<2048x64xf32>
    %reduce_sum3A_70 = arith.constant dense<0.000000e+00> : vector<2048xf32>
    %reduce_sum3A_71 = vector.multi_reduction <add>, %mul3A_69, %reduce_sum3A_70 [1] : vector<2048x64xf32> to vector<2048xf32>
    %broadcast_in_dim3A_72 = vector.shape_cast %reduce_sum3A_71 : vector<2048xf32> to vector<2048x1xf32>
    %add3A_73 = arith.addf %broadcast_in_dim3A_64, %broadcast_in_dim3A_72 : vector<2048x1xf32>
    %get3A_74 = arith.constant 0 : index
    %get3A_75 = arith.constant 0 : index
    %get3A_76 = vector.load %arg14[%get3A_74, %get3A_75] : memref<1x1xf32, #tpu.memory_space<vmem>>, vector<1x1xf32>
    %add3A_77 = vector.broadcast %get3A_76 : vector<1x1xf32> to vector<2048x1xf32>
    %add3A_78 = arith.addf %add3A_73, %add3A_77 : vector<2048x1xf32>
    %logistic3A = arith.negf %add3A_78 : vector<2048x1xf32>
    %logistic3A_79 = math.exp %logistic3A : vector<2048x1xf32>
    %logistic3A_80 = arith.constant 1.000000e+00 : f32
    %logistic3A_81 = vector.broadcast %logistic3A_80 : f32 to vector<2048x1xf32>
    %logistic3A_82 = arith.addf %logistic3A_81, %logistic3A_79 : vector<2048x1xf32>
    %logistic3A_83 = arith.divf %logistic3A_81, %logistic3A_82 : vector<2048x1xf32>
    %swap3A = arith.constant 0 : index
    %swap3A_84 = arith.constant 0 : index
    %swap3A_85 = vector.load %arg15[%swap3A, %swap3A_84] : memref<2048x1xf32, #tpu.memory_space<vmem>>, vector<2048x1xf32>
    tpu.vector_store %arg15[%swap3A, %swap3A_84], %logistic3A_83 {strides = array<i32>} : memref<2048x1xf32, #tpu.memory_space<vmem>>, vector<2048x1xf32>,
    return
  }
  func.func @transform_0(%arg0: i32) -> (i32, i32) {
    %c0_i32 = arith.constant 0 : i32
    %c0_i32_0 = arith.constant 0 : i32
    return %arg0, %c0_i32 : i32, i32
  }
  func.func @transform_1(%arg0: i32) -> (i32, i32) {
    %c0_i32 = arith.constant 0 : i32
    %c0_i32_0 = arith.constant 0 : i32
    return %arg0, %c0_i32 : i32, i32
  }
  func.func @transform_2(%arg0: i32) -> (i32, i32) {
    %c0_i32 = arith.constant 0 : i32
    %c0_i32_0 = arith.constant 0 : i32
    return %arg0, %c0_i32 : i32, i32
  }
  func.func @transform_3(%arg0: i32) -> (i32, i32) {
    %c0_i32 = arith.constant 0 : i32
    %c0_i32_0 = arith.constant 0 : i32
    return %arg0, %c0_i32 : i32, i32
  }
  func.func @transform_4(%arg0: i32) -> (i32, i32) {
    %c0_i32 = arith.constant 0 : i32
    %c0_i32_0 = arith.constant 0 : i32
    return %arg0, %c0_i32 : i32, i32
  }
  func.func @transform_5(%arg0: i32) -> (i32, i32) {
    %c0_i32 = arith.constant 0 : i32
    %c0_i32_0 = arith.constant 0 : i32
    return %arg0, %c0_i32 : i32, i32
  }
  func.func @transform_6(%arg0: i32) -> (i32, i32) {
    %c0_i32 = arith.constant 0 : i32
    %c0_i32_0 = arith.constant 0 : i32
    %c0_i32_1 = arith.constant 0 : i32
    return %c0_i32, %c0_i32_0 : i32, i32
  }
  func.func @transform_7(%arg0: i32) -> (i32, i32) {
    %c0_i32 = arith.constant 0 : i32
    %c0_i32_0 = arith.constant 0 : i32
    %c0_i32_1 = arith.constant 0 : i32
    return %c0_i32, %c0_i32_0 : i32, i32
  }
  func.func @transform_8(%arg0: i32) -> (i32, i32) {
    %c0_i32 = arith.constant 0 : i32
    %c0_i32_0 = arith.constant 0 : i32
    %c0_i32_1 = arith.constant 0 : i32
    return %c0_i32, %c0_i32_0 : i32, i32
  }
  func.func @transform_9(%arg0: i32) -> (i32, i32) {
    %c0_i32 = arith.constant 0 : i32
    %c0_i32_0 = arith.constant 0 : i32
    %c0_i32_1 = arith.constant 0 : i32
    return %c0_i32, %c0_i32_0 : i32, i32
  }
  func.func @transform_10(%arg0: i32) -> (i32, i32) {
    %c0_i32 = arith.constant 0 : i32
    %c0_i32_0 = arith.constant 0 : i32
    %c0_i32_1 = arith.constant 0 : i32
    return %c0_i32, %c0_i32_0 : i32, i32
  }
  func.func @transform_11(%arg0: i32) -> (i32, i32) {
    %c0_i32 = arith.constant 0 : i32
    %c0_i32_0 = arith.constant 0 : i32
    %c0_i32_1 = arith.constant 0 : i32
    return %c0_i32, %c0_i32_0 : i32, i32
  }
  func.func @transform_12(%arg0: i32) -> (i32, i32) {
    %c0_i32 = arith.constant 0 : i32
    %c0_i32_0 = arith.constant 0 : i32
    %c0_i32_1 = arith.constant 0 : i32
    return %c0_i32, %c0_i32_0 : i32, i32
  }
  func.func @transform_13(%arg0: i32) -> (i32, i32) {
    %c0_i32 = arith.constant 0 : i32
    %c0_i32_0 = arith.constant 0 : i32
    %c0_i32_1 = arith.constant 0 : i32
    return %c0_i32, %c0_i32_0 : i32, i32
  }
  func.func @transform_14(%arg0: i32) -> (i32, i32) {
    %c0_i32 = arith.constant 0 : i32
    %c0_i32_0 = arith.constant 0 : i32
    return %arg0, %c0_i32 : i32, i32
  }
}

</mosaic_0001>

<sc_bundles>
// kernel: kernel.4.cloned.1.call-start
scs
__scs_entry_jumppad:
0x0: {  	(pc) =	sbr.rel $0x88, $3  }
0x1: {  	(tag) =	ssettag $0x0;
	lr =	simm.s32 $0x1  }
0x2: {  	[smem:$0x3F95] =	sst lr;
	_ =	strace $0xD0000000  }
0x3: {  	_ = 	snop  }
0x4: {  	_ = 	snop  }
0x5: {  	_ = 	snop  }
0x6: {  	_ = 	snop  }
0x7: {  	_ = 	snop  }
__scs_overlays_trampoline_lowered:
0x8: {  	[smem:$0x3FA4] =	sst s0  }
0x9: {  	[smem:$0x3FA5] =	sst s1  }
0xa: {  	[smem:$0x3FA6] =	sst s2  }
0xb: {  	[smem:$0x3FA7] =	sst s3  }
0xc: {  	[smem:$0x3FA8] =	sst s4  }
0xd: {  	[smem:$0x3FA9] =	sst s5  }
0xe: {  	[smem:$0x3FAA] =	sst s6  }
0xf: {  	[smem:$0x3FAB] =	sst s7  }
0x10: {  	[smem:$0x3FAC] =	sst s8  }
0x11: {  	[smem:$0x3FAD] =	sst s9;
	s0 =	simm.s32 @!p0 $0x0  }
0x12: {  	s1 =	sld [smem:$0x3F93];
	s0 =	simm.s32 @p0 $0x1  }
0x13: {  	[smem:$0x3FAE] =	sst s0;
	s0 =	simm.s32 @!p1 $0x0  }
0x14: {  	s2 =	sld [smem:$0x3F92];
	s0 =	simm.s32 @p1 $0x1  }
0x15: {  	[smem:$0x3FAF] =	sst s0;
	s0 =	simm.s32 @!p2 $0x0  }
0x16: {  	s3 =	sld [smem:$0x3FDB];
	s0 =	simm.s32 @p2 $0x1  }
0x17: {  	s4 =	simm.s32 $0x1BF5;
	[smem:$0x3FB1] =	sst s0  }
0x18: {  	s0 =	sld [smem:$0x3F94];
	_ =	swait.ge [sflag:s4], $0x0  }
0x19: {  	s7 =	sld [smem:$0x3F95]  }
0x1a: {  	s8 =	sadd.s32 $0xFFFFE003, lr  }
0x1b: {  	s9 =	sadd.s32 $0xFFFFFEF7, lr;
	s5 =	simm.s32 $0xFFFFFFFF;
	p2 =	slt.u32 s8, $0xFFFFF086  }
0x1c: {  	p1 =	slt.u32 s9, $0xF7A;
	s5 =	simm.s32 @!p2 $0x0  }
0x1d: {  	s5 =	simm.s32 @p1 $0x1;
	p0 =	seq.s32 s7, s2  }
0x1e: {  	s7 =	smul.u32 @!p0 $0xF7A, s2;
	p2 =	seq.s32 @!p0 s5, $0x0  }
0x1f: {  	s9 =	smul.u32 $0xF7A, s1;
	s8 =	simm.s32 @!p0 $0x1BF5;
	p2 =	por !p2, p0  }
0x20: {  	[sflag:s8] =	ssyncset.s32 @!p0 $0xFFFFF086;
	s6 =	sadd.s32 @!p0 s3, s7;
	s7 =	simm.s32 @!p0 $0x108  }
0x21: {  	s3 =	sadd.s32 s3, s9;
	s6 =	sadd.s32 @!p0 $0x88, s6;
	s7 =	simm.s32 @p2 $0x1082  }
0x22: {  	[simem:s7], [sflag:s8] =	dma.local @!p0 [hbm:s6], $0xF7A  }
0x23: {  	s9 =	sor.u32 $0xD0000000, s2;
	s6 =	simm.s32 $0x108;
	_ =	swait.ge @!p0 [sflag:s8], $0x0  }
0x24: {  	s3 =	sadd.s32 $0x88, s3;
	s6 =	simm.s32 @!p1 $0x1082;
	[sflag:s4] =	ssyncset.s32 $0xFFFFF086  }
0x25: {  	[simem:s6], [sflag:s4] =	dma.local [hbm:s3], $0xF7A  }
0x26: {  	[smem:$0x3F95] =	sst s1;
	(tag) =	ssettag s2;
	_ =	strace s9  }
0x27: {  	s1 =	sld [smem:$0x3FA5]  }
0x28: {  	s2 =	sld [smem:$0x3FA6]  }
0x29: {  	s4 =	sld [smem:$0x3FA8]  }
0x2a: {  	p0 =	seq.s32 s5, $0x0;
	s5 =	sld [smem:$0x3FA9]  }
0x2b: {  	s6 =	sld [smem:$0x3FAA]  }
0x2c: {  	s7 =	sld [smem:$0x3FAB]  }
0x2d: {  	s3 =	simm.s32 $0x108;
	s8 =	sld [smem:$0x3FAC]  }
0x2e: {  	s3 =	simm.s32 @!p0 $0x1082;
	s9 =	sld [smem:$0x3FAD]  }
0x2f: {  	lr =	sadd.s32 s0, s3;
	s0 =	sld [smem:$0x3FA4]  }
0x30: {  	s3 =	sld [smem:$0x3FA7]  }
0x31: {  	[smem:$0x3FB0] =	sst s10  }
0x32: {  	s10 =	sld [smem:$0x3FAE];
	_ =	sdelay $0x3  }
0x33: {  	p0 =	seq.s32 s10, $0x1;
	s10 =	sld [smem:$0x3FB0];
	_ =	sdelay $0x3  }
0x34: {  	[smem:$0x3FB0] =	sst s10  }
0x35: {  	s10 =	sld [smem:$0x3FAF];
	_ =	sdelay $0x3  }
0x36: {  	p1 =	seq.s32 s10, $0x1;
	s10 =	sld [smem:$0x3FB0];
	_ =	sdelay $0x3  }
0x37: {  	[smem:$0x3FB0] =	sst s10  }
0x38: {  	s10 =	sld [smem:$0x3FB1]  }
0x39: {  	_ = 	snop;
	(pc) =	sbr.ind lr, $3  }
0x3a: {  	_ = 	snop  }
0x3b: {  	_ = 	snop  }
0x3c: {  	p2 =	seq.s32 s10, $0x1;
	s10 =	sld [smem:$0x3FB0]  }
0x3d: {  	_ =	shalt  }
0x3e: {  	_ =	shalt  }
0x3f: {  	_ =	shalt  }
0x40: {  	_ =	shalt  }
0x41: {  	_ =	shalt  }
0x42: {  	_ =	shalt  }
0x43: {  	_ =	shalt  }
0x44: {  	_ =	shalt  }
0x45: {  	_ =	shalt  }
0x46: {  	_ =	shalt  }
0x47: {  	_ =	shalt  }
0x48: {  	_ =	shalt  }
0x49: {  	_ =	shalt  }
0x4a: {  	_ =	shalt  }
0x4b: {  	_ =	shalt  }
0x4c: {  	_ =	shalt  }
0x4d: {  	_ =	shalt  }
0x4e: {  	_ =	shalt  }
0x4f: {  	_ =	shalt  }
0x50: {  	_ =	shalt  }
0x51: {  	_ =	shalt  }
0x52: {  	_ =	shalt  }
0x53: {  	_ =	shalt  }
0x54: {  	_ =	shalt  }
0x55: {  	_ =	shalt  }
0x56: {  	_ =	shalt  }
0x57: {  	_ =	shalt  }
0x58: {  	_ =	shalt  }
0x59: {  	_ =	shalt  }
0x5a: {  	_ =	shalt  }
0x5b: {  	_ =	shalt  }
0x5c: {  	_ =	shalt  }
0x5d: {  	_ =	shalt  }
0x5e: {  	_ =	shalt  }
0x5f: {  	_ =	shalt  }
0x60: {  	_ =	shalt  }
0x61: {  	_ =	shalt  }
0x62: {  	_ =	shalt  }
0x63: {  	_ =	shalt  }
0x64: {  	_ =	shalt  }
0x65: {  	_ =	shalt  }
0x66: {  	_ =	shalt  }
0x67: {  	_ =	shalt  }
0x68: {  	_ =	shalt  }
0x69: {  	_ =	shalt  }
0x6a: {  	_ =	shalt  }
0x6b: {  	_ =	shalt  }
0x6c: {  	_ =	shalt  }
0x6d: {  	_ =	shalt  }
0x6e: {  	_ =	shalt  }
0x6f: {  	_ =	shalt  }
0x70: {  	_ =	shalt  }
0x71: {  	_ =	shalt  }
0x72: {  	_ =	shalt  }
0x73: {  	_ =	shalt  }
0x74: {  	_ =	shalt  }
0x75: {  	_ =	shalt  }
0x76: {  	_ =	shalt  }
0x77: {  	_ =	shalt  }
0x78: {  	_ =	shalt  }
0x79: {  	_ =	shalt  }
0x7a: {  	_ =	shalt  }
0x7b: {  	_ =	shalt  }
0x7c: {  	_ =	shalt  }
0x7d: {  	_ =	shalt  }
0x7e: {  	_ =	shalt  }
0x7f: {  	_ =	shalt  }
0x80: {  	_ =	shalt  }
0x81: {  	_ =	shalt  }
0x82: {  	_ =	shalt  }
0x83: {  	_ =	shalt  }
0x84: {  	_ =	shalt  }
0x85: {  	_ =	shalt  }
0x86: {  	_ =	shalt  }
0x87: {  	_ =	shalt  }
.Lfunc_end0:
.L_simem_size_0:
called_computation_lowered:
.L_overlay_start_0:
0x88: {  	s2 =	sld [smem:$0x3FD9]  }
0x89: {  	s3 =	sld [smem:$0x3FFE];
	_ =	sdelay $0x1  }
0x8a: {  	s1 =	srdreg.scid  }
0x8b: {  	s0 =	sand.u32 $0x1, s1  }
0x8c: {  	s17 =	sshll.u32 s0, $0xA;
	s2 =	sadd.s32 s3, s2  }
0x8d: {  	s2 =	sadd.s32 s2, s17  }
0x8e: {  	[smem:$0x3FBC] =	sst s2  }
0x8f: {  	_ = 	snop  }
0x90: {  	s2 =	sld [smem:$0x3FC9]  }
0x91: {  	s18 =	sld [smem:$0x3FC8]  }
0x92: {  	s4 =	sld [smem:$0x3FC5]  }
0x93: {  	s5 =	sld [smem:$0x3FC4]  }
0x94: {  	s6 =	sld [smem:$0x3FD0];
	(tm) =	ssettm $0x1  }
0x95: {  	s7 =	sld [smem:$0x3FFB];
	_ =	sdelay $0x3  }
0x96: {  	_ =	strace s7  }
0x97: {  	s7 =	sld [smem:$0x3FFC];
	_ =	sdelay $0x3  }
0x98: {  	_ =	strace s7  }
0x99: {  	s7 =	sld [smem:$0x3FFD];
	_ =	sdelay $0x3  }
0x9a: {  	_ =	strace s7  }
0x9b: {  	_ =	strace $0x8FFFFFFF  }
0x9c: {  	s19 =	sld [smem:$0x3FDB];
	_ =	sdelay $0x1  }
0x9d: {  	s8 =	simm.s32 $_scs_section_size  }
0x9e: {  	s9 =	simm.s32 $_size__tile_overlayer_lowered;
	s10 =	simm.s32 $_tile_overlayer_lowered  }
0x9f: {  	s22 =	simm.s32 $0x1BFF;
	s21 =	sshll.u32 s10, $0x1;
	s7 =	sadd.s32 s8, s19  }
0xa0: {  	s11 =	simm.s32 $0x0;
	s20 =	sshll.u32 s9, $0x1;
	s9 =	sadd.s32 s21, s7  }
0xa1: {  	[timem:s11], [sflag:s22] =	dma.local [hbm:s9], s20  }
0xa2: {  	_ =	swait.ge [sflag:s22], s20  }
0xa3: {  	s8 =	ssub.s32 $0x0, s20;
	[sflag:s22] =	ssyncset.done $0x0  }
0xa4: {  	[sflag:s22] =	ssyncadd.s32 s8;
	_ =	sdelay $0x1  }
0xa5: {  	s23 =	simm.s32 $0x1B8B  }
0xa6: {  	_ =	swait.ge [sflag:s23], $0x1  }
0xa7: {  	[sflag:s23] =	ssyncset.done $0x0  }
0xa8: {  	s25 =	simm.s32 $0x1B8E;
	s24 =	sld [smem:$0x3FFE];
	[sflag:s23] =	ssyncadd.s32 $0xFFFFFFFF  }
0xa9: {  	s26 =	simm.s32 $execute0_lowered;
	[smem:$0x3FD2] =	sst s25  }
0xaa: {  	s9 =	sshll.u32 s26, $0x1;
	_ =	strace $0x80000046;
	[dreg:$0x1] =	wrdreg $0xFFFFFFFF  }
0xab: {  	s28 =	simm.s32 $_size_execute0_lowered;
	s7 =	sadd.s32 s7, s9;
	[dreg:$0x0] =	wrdreg $0x0  }
0xac: {  	s9 =	sshll.u32 s28, $0x1;
	[dreg:$0x2] =	wrdreg s7  }
0xad: {  	[dreg:$0x3] =	wrdreg s9  }
0xae: {  	[dreg:$0x4] =	wrdreg $0xC0  }
0xaf: {  	_ =	task [dreg:s11], $0x5FFFF  }
0xb0: {  	[dreg:$0x1] =	wrdreg $0xFFFFFFFF  }
0xb1: {  	[dreg:$0x0] =	wrdreg $0x60  }
0xb2: {  	[dreg:$0x2] =	wrdreg s24  }
0xb3: {  	[dreg:$0x3] =	wrdreg s4  }
0xb4: {  	[dreg:$0x4] =	wrdreg s5  }
0xb5: {  	[dreg:$0x5] =	wrdreg s2  }
0xb6: {  	[dreg:$0x6] =	wrdreg s18  }
0xb7: {  	[dreg:$0x7] =	wrdreg s6  }
0xb8: {  	[dreg:$0x8] =	wrdreg $0x9  }
0xb9: {  	_ =	task.clear_ibuf [dreg:s11], $0x9FFFF;
	_ =	strace $0x90000046  }
0xba: {  	s29 =	simm.s32 $0x9;
	_ =	strace $0x80000048  }
0xbb: {  	_ =	swait.ge [sflag:s29], $0x1  }
0xbc: {  	[sflag:s29] =	ssyncadd.s32 $0xFFFFFFFF  }
0xbd: {  	_ =	strace $0x90000048  }
0xbe: {  	_ =	sfence  }
0xbf: {  	s30 =	sld [smem:$0x0];
	_ =	sdelay $0x2  }
0xc0: {  	s31 =	sshll.u32 s1, $0xD;
	s1 =	sshrl.u32 s1, $0x2  }
0xc1: {  	s3 =	sand.u32 $0x4000, s31;
	s1 =	sadd.s32 s1, s30  }
0xc2: {  	s0 =	sor.u32 s3, s0;
	s1 =	sshll.u32 s1, $0x11  }
0xc3: {  	s0 =	sor.u32 s1, s0  }
0xc4: {  	s0 =	sadd.s32 $0x8F2B, s0  }
0xc5: {  	[sflag:s0] =	ssyncadd.remote.s32 $0x1  }
0xc6: {  	_ =	sfence.sel $0xFFFF  }
0xc7: {  	[dreg:$0x0] =	wrdreg $0xFFFFFFFF;
	(pc) =	sbr.abs _section_cstart, $3  }
0xc8: {  	[dreg:$0x1] =	wrdreg $0xFFFFFFFF  }
0xc9: {  	_ =	task.clear_ibuf [dreg:s11], $0x2FFFF;
	_ =	strace $0x9FFFFFFF  }
0xca: {  	(tm) =	ssettm $0x7FFFFFFF  }
0xcb: {  	_ =	shalt  }
tec
execute0_lowered:
.L_overlay_start_1:
0x0: {  	(tag) =	ssettag $0x1  }
0x1: {  	s0 =	rddreg [dreg:$0x0]  }
0x2: {  	s1 =	rddreg [dreg:$0x1]  }
0x3: {  	s2 =	rddreg [dreg:$0x2]  }
0x4: {  	s3 =	rddreg [dreg:$0x3]  }
0x5: {  	s7 =	rddreg [dreg:$0x4]  }
0x6: {  	s8 =	rddreg [dreg:$0x5]  }
0x7: {  	s4 =	simm.s32 $0x0;
	s5 =	srdreg.scid;
	s12 =	stileid.u32  }
0x8: {  	s20 =	simm.s32 $0x40;
	s29 =	simm.s32 $0x6800;
	s30 =	simm.s32 $0xA800  }
0x9: {  	s31 =	simm.s32 $0x4;
	[smem:$0x7FF] =	sst s4;
	s9 =	sand.u32 $0x1, s5  }
0xa: {  	s10 =	sshll.u32 s12, $0xA;
	s5 =	sadd.s32 $0x18A000, s0;
	s6 =	sadd.s32 $0x24D600, s0  }
0xb: {  	s21 =	sshll.u32 s12, $0xE;
	s11 =	sshll.u32 s9, $0x9;
	s22 =	ssub.s32 $0x2, s9  }
0xc: {  	_ =	strace $0x80000047;
	s10 =	sor.u32 s11, s10;
	s23 =	sshrl.u32 s22, $0x1  }
0xd: {  	s24 =	sshll.u32 s9, $0xD;
	s10 =	sshrl.u32 s10, $0x3;
	s11 =	ssub.s32 s22, s23  }
0xe: {  	s22 =	simm.s32 $0x4800;
	s23 =	simm.s32 $0x8800;
	s13 =	sadd.s32 s10, s0  }
0xf: {  	s0 =	sadd.s32 s21, s0;
	s3 =	sadd.s32 s3, s10;
	s7 =	sadd.s32 s7, s10  }
0x10: {  	s26 =	sadd.s32 s8, s10;
	s28 =	smax.u32 s11, $0x1;
	[dreg:$0x7] =	wrdreg s3  }
0x11: {  	s21 =	simm.s32 $0x800;
	s8 =	simm.s32 $0x0;
	[dreg:$0x8] =	wrdreg s7  }
.Ltmp0:
0x12: {  	s25 =	sadd.s32 $0x3600, s13;
	[dreg:$0xa] =	wrdreg s26;
	(pc) =	sbr.rel .LBB2_1-.Ltmp0, $4  }
0x13: {  	s0 =	sadd.s32 s24, s0;
	[dreg:$0xb] =	wrdreg s28;
	s24 =	simm.s32 $0xC800  }
0x14: {  	s26 =	simm.s32 $0x2800;
	s3 =	simm.s32 $0x1;
	[dreg:$0x9] =	wrdreg s25  }
0x15: {  	s12 =	sadd.s32 $0xC3E00, s0;
	s13 =	sadd.s32 $0x83E00, s0;
	s14 =	sadd.s32 $0x43E00, s0  }
0x16: {  	s15 =	sadd.s32 $0x3E00, s0;
	s0 =	simm.s32 $0xE800;
	s25 =	simm.s32 $0x2  }
.LBB2_4:
0x17: {  	s7 =	simm.s32 $0x3  }
0x18: {  	_ =	swait.ge [sflag:s7], $0x2000  }
0x19: {  	[sflag:s7] =	ssyncset.done $0x0  }
0x1a: {  	[sflag:s7] =	ssyncadd.s32 $0xFFFFE000  }
0x1b: {  	_ =	swait.ge [sflag:s7], $0x2000  }
0x1c: {  	[sflag:s7] =	ssyncset.done $0x0  }
0x1d: {  	[sflag:s7] =	ssyncadd.s32 $0xFFFFE000  }
0x1e: {  	_ =	swait.ge [sflag:s7], $0x2000  }
0x1f: {  	[sflag:s7] =	ssyncset.done $0x0  }
0x20: {  	[sflag:s7] =	ssyncadd.s32 $0xFFFFE000  }
0x21: {  	_ =	swait.ge [sflag:s7], $0x2000  }
0x22: {  	[sflag:s7] =	ssyncset.done $0x0  }
0x23: {  	[sflag:s7] =	ssyncadd.s32 $0xFFFFE000  }
0x24: {  	_ =	swait.ge [sflag:s31], $0x2000  }
0x25: {  	[sflag:s31] =	ssyncset.done $0x0  }
0x26: {  	[sflag:s31] =	ssyncadd.s32 $0xFFFFE000  }
0x27: {  	_ =	swait.ge [sflag:s31], $0x2000  }
0x28: {  	[sflag:s31] =	ssyncset.done $0x0  }
0x29: {  	[sflag:s31] =	ssyncadd.s32 $0xFFFFE000  }
0x2a: {  	_ =	swait.ge [sflag:s31], $0x2000  }
0x2b: {  	[sflag:s31] =	ssyncset.done $0x0  }
0x2c: {  	[sflag:s31] =	ssyncadd.s32 $0xFFFFE000  }
0x2d: {  	_ =	swait.ge [sflag:s31], $0x2000  }
0x2e: {  	s8 =	rddreg [dreg:$0xc]  }
0x2f: {  	s28 =	rddreg [dreg:$0xb];
	s8 =	sadd.s32 $0x1, s8  }
0x30: {  	p0 =	sne.s32 s8, s28  }
.Ltmp1:
0x31: {  	_ = 	snop;
	(pc) =	sbr.rel @!p0 .LBB2_5-.Ltmp1, $3  }
0x32: {  	_ =	sdelay $0x1  }
0x33: {  	[sflag:s31] =	ssyncset.done $0x0  }
0x34: {  	[sflag:s31] =	ssyncadd.s32 $0xFFFFE000  }
.LBB2_1:
0x35: {  	[dreg:$0xc] =	wrdreg s8  }
0x36: {  	s7 =	rddreg [dreg:$0x7];
	s28 =	simm.s32 $0x5  }
0x37: {  	[tilespmem:s4], [sflag:$0x5] =	stream.linear.gather [hbm4b:s7+s4], $0x200, $0x38;
	[tilespmem:$0x10800] =	vst v63  }
0x38: {  	_ =	swait.ge [sflag:s28], $0x200  }
0x39: {  	[sflag:s28] =	ssyncset.done $0x0  }
0x3a: {  	s9 =	simm.s32 $0x200;
	s11 =	rddreg [dreg:$0x8];
	[sflag:s28] =	ssyncadd.s32 $0xFFFFFE00  }
0x3b: {  	[tilespmem:s9], [sflag:$0x5] =	stream.linear.gather [hbm4b:s11+s4], $0x200, $0x38;
	[tilespmem:$0x10800] =	vst v63  }
0x3c: {  	_ =	swait.ge [sflag:s28], $0x200  }
0x3d: {  	[sflag:s28] =	ssyncset.done $0x0  }
0x3e: {  	s10 =	simm.s32 $0x400;
	s16 =	rddreg [dreg:$0x9];
	[sflag:s28] =	ssyncadd.s32 $0xFFFFFE00  }
0x3f: {  	[tilespmem:s10], [sflag:$0x5] =	stream.linear.gather [hbm4b:s16+s4], $0x200, $0x38;
	[tilespmem:$0x10800] =	vst v63  }
0x40: {  	_ =	swait.ge [sflag:s28], $0x200  }
0x41: {  	[sflag:s28] =	ssyncset.done $0x0  }
0x42: {  	s11 =	simm.s32 $0x600;
	s17 =	rddreg [dreg:$0xa];
	[sflag:s28] =	ssyncadd.s32 $0xFFFFFE00  }
0x43: {  	[tilespmem:s11], [sflag:$0x5] =	stream.linear.gather [hbm4b:s17+s4], $0x200, $0x38;
	[tilespmem:$0x10800] =	vst v63  }
0x44: {  	_ =	swait.ge [sflag:s28], $0x200  }
0x45: {  	[sflag:s28] =	ssyncset.done $0x0  }
0x46: {  	[sflag:s28] =	ssyncadd.s32 $0xFFFFFE00  }
0x47: {  	[tilespmem:s21], [sflag:$0x1] =	stream.indirect.gather [hbm4b:s5+s20], $0x80, s10, s20, $0xb8;
	[tilespmem:$0x10800] =	vst v63  }
0x48: {  	_ = 	snop  }
0x49: {  	[tilespmem:s22], [sflag:$0x1] =	stream.indirect.gather [hbm4b:s6+s20], $0x80, s11, s20, $0xb8;
	[tilespmem:$0x10800] =	vst v63  }
0x4a: {  	_ = 	snop  }
0x4b: {  	[tilespmem:s23], [sflag:$0x1] =	stream.indirect.gather [hbm4b:s1+s20], $0x80, s4, s20, $0xb8;
	[tilespmem:$0x10800] =	vst v63  }
0x4c: {  	_ = 	snop  }
0x4d: {  	[tilespmem:s24], [sflag:$0x1] =	stream.indirect.gather [hbm4b:s2+s20], $0x80, s9, s20, $0xb8;
	[tilespmem:$0x10800] =	vst v63  }
0x4e: {  	s18 =	simm.s32 $0x440  }
0x4f: {  	[tilespmem:s26], [sflag:$0x2] =	stream.indirect.gather [hbm4b:s5+s20], $0x80, s18, s20, $0xb8;
	[tilespmem:$0x10800] =	vst v63  }
0x50: {  	s19 =	simm.s32 $0x640  }
0x51: {  	[tilespmem:s29], [sflag:$0x2] =	stream.indirect.gather [hbm4b:s6+s20], $0x80, s19, s20, $0xb8;
	[tilespmem:$0x10800] =	vst v63  }
0x52: {  	_ = 	snop  }
0x53: {  	[tilespmem:s30], [sflag:$0x2] =	stream.indirect.gather [hbm4b:s1+s20], $0x80, s20, s20, $0xb8;
	[tilespmem:$0x10800] =	vst v63  }
0x54: {  	s8 =	simm.s32 $0x0;
	s28 =	simm.s32 $0x240;
	s9 =	simm.s32 $0x0  }
0x55: {  	[tilespmem:s0], [sflag:$0x2] =	stream.indirect.gather [hbm4b:s2+s20], $0x80, s28, s20, $0xb8;
	[tilespmem:$0x10800] =	vst v63  }
.LBB2_2:
0x56: {  	_ =	swait.ge [sflag:s3], $0x2000  }
0x57: {  	[sflag:s3] =	ssyncset.done $0x0  }
0x58: {  	[sflag:s3] =	ssyncadd.s32 $0xFFFFE000  }
0x59: {  	_ =	swait.ge [sflag:s3], $0x2000  }
0x5a: {  	[sflag:s3] =	ssyncset.done $0x0  }
0x5b: {  	[sflag:s3] =	ssyncadd.s32 $0xFFFFE000  }
0x5c: {  	_ =	swait.ge [sflag:s3], $0x2000  }
0x5d: {  	[sflag:s3] =	ssyncset.done $0x0  }
0x5e: {  	[sflag:s3] =	ssyncadd.s32 $0xFFFFE000  }
0x5f: {  	_ =	swait.ge [sflag:s3], $0x2000  }
0x60: {  	[sflag:s3] =	ssyncset.done $0x0  }
0x61: {  	s10 =	sadd.s32 s9, s15;
	[sflag:s3] =	ssyncadd.s32 $0xFFFFE000  }
0x62: {  	[hbm4b:s10+s4] =	stream.linear.scatter [tilespmem:s21], [sflag:$0x3], $0x2000, $0x38;
	[tilespmem:$0x10800] =	vst v63  }
0x63: {  	s11 =	sadd.s32 s9, s14  }
0x64: {  	[hbm4b:s11+s4] =	stream.linear.scatter [tilespmem:s22], [sflag:$0x3], $0x2000, $0x38;
	[tilespmem:$0x10800] =	vst v63  }
0x65: {  	s17 =	sadd.s32 s9, s13;
	p0 =	seq.s32 s9, $0x1800  }
0x66: {  	[hbm4b:s17+s4] =	stream.linear.scatter [tilespmem:s23], [sflag:$0x3], $0x2000, $0x38;
	[tilespmem:$0x10800] =	vst v63  }
0x67: {  	s18 =	sadd.s32 s9, s12;
	s19 =	simm.s32 @!p0 $0x3  }
0x68: {  	[hbm4b:s18+s4] =	stream.linear.scatter [tilespmem:s24], [sflag:$0x3], $0x2000, $0x38;
	[tilespmem:$0x10800] =	vst v63  }
0x69: {  	_ =	swait.ge @!p0 [sflag:s19], $0x2000  }
0x6a: {  	[sflag:s19] =	ssyncset.done @!p0 $0x0  }
0x6b: {  	[sflag:s19] =	ssyncadd.s32 @!p0 $0xFFFFE000  }
0x6c: {  	_ =	swait.ge @!p0 [sflag:s19], $0x2000  }
0x6d: {  	[sflag:s19] =	ssyncset.done @!p0 $0x0  }
0x6e: {  	[sflag:s19] =	ssyncadd.s32 @!p0 $0xFFFFE000  }
0x6f: {  	_ =	swait.ge @!p0 [sflag:s19], $0x2000  }
0x70: {  	[sflag:s19] =	ssyncset.done @!p0 $0x0  }
0x71: {  	[sflag:s19] =	ssyncadd.s32 @!p0 $0xFFFFE000  }
0x72: {  	_ =	swait.ge @!p0 [sflag:s19], $0x2000  }
0x73: {  	[sflag:s19] =	ssyncset.done @!p0 $0x0  }
0x74: {  	[sflag:s19] =	ssyncadd.s32 @!p0 $0xFFFFE000;
	s19 =	sshra.s32 @!p0 s8, $0x2  }
0x75: {  	s28 =	simm.s32 @!p0 $0x40;
	s7 =	simm.s32 @!p0 $0x800;
	s16 =	sadd.s32 @!p0 $0x480, s19  }
0x76: {  	[tilespmem:s7], [sflag:$0x1] =	stream.indirect.gather @!p0 [hbm4b:s5+s28], $0x80, s16, s28, $0xb8;
	[tilespmem:$0x10800] =	vst v63  }
0x77: {  	s7 =	sadd.s32 @!p0 $0x680, s19;
	s16 =	simm.s32 @!p0 $0x4800  }
0x78: {  	[tilespmem:s16], [sflag:$0x1] =	stream.indirect.gather @!p0 [hbm4b:s6+s28], $0x80, s7, s28, $0xb8;
	[tilespmem:$0x10800] =	vst v63  }
0x79: {  	s7 =	sadd.s32 @!p0 $0x80, s19;
	s16 =	simm.s32 @!p0 $0x8800  }
0x7a: {  	[tilespmem:s16], [sflag:$0x1] =	stream.indirect.gather @!p0 [hbm4b:s1+s28], $0x80, s7, s28, $0xb8;
	[tilespmem:$0x10800] =	vst v63  }
0x7b: {  	s7 =	sadd.s32 @!p0 $0x280, s19;
	s16 =	simm.s32 @!p0 $0xC800  }
0x7c: {  	[tilespmem:s16], [sflag:$0x1] =	stream.indirect.gather @!p0 [hbm4b:s2+s28], $0x80, s7, s28, $0xb8;
	[tilespmem:$0x10800] =	vst v63  }
0x7d: {  	_ =	swait.ge [sflag:s25], $0x2000  }
0x7e: {  	[sflag:s25] =	ssyncset.done $0x0  }
0x7f: {  	[sflag:s25] =	ssyncadd.s32 $0xFFFFE000  }
0x80: {  	_ =	swait.ge [sflag:s25], $0x2000  }
0x81: {  	[sflag:s25] =	ssyncset.done $0x0  }
0x82: {  	[sflag:s25] =	ssyncadd.s32 $0xFFFFE000  }
0x83: {  	_ =	swait.ge [sflag:s25], $0x2000  }
0x84: {  	[sflag:s25] =	ssyncset.done $0x0  }
0x85: {  	[sflag:s25] =	ssyncadd.s32 $0xFFFFE000  }
0x86: {  	_ =	swait.ge [sflag:s25], $0x2000  }
0x87: {  	[sflag:s25] =	ssyncset.done $0x0  }
0x88: {  	s10 =	sadd.s32 $0x400, s10;
	[sflag:s25] =	ssyncadd.s32 $0xFFFFE000  }
0x89: {  	[hbm4b:s10+s4] =	stream.linear.scatter [tilespmem:s26], [sflag:$0x4], $0x2000, $0x38;
	[tilespmem:$0x10800] =	vst v63  }
0x8a: {  	s16 =	sadd.s32 $0x400, s11  }
0x8b: {  	[hbm4b:s16+s4] =	stream.linear.scatter [tilespmem:s29], [sflag:$0x4], $0x2000, $0x38;
	[tilespmem:$0x10800] =	vst v63  }
.Ltmp2:
0x8c: {  	_ = 	snop;
	(pc) =	sbr.rel @p0 .LBB2_4-.Ltmp2, $4  }
0x8d: {  	s19 =	sadd.s32 $0x400, s17  }
0x8e: {  	[hbm4b:s19+s4] =	stream.linear.scatter [tilespmem:s30], [sflag:$0x4], $0x2000, $0x38;
	[tilespmem:$0x10800] =	vst v63  }
0x8f: {  	s28 =	sadd.s32 $0x400, s18  }
0x90: {  	[hbm4b:s28+s4] =	stream.linear.scatter [tilespmem:s0], [sflag:$0x4], $0x2000, $0x38;
	[tilespmem:$0x10800] =	vst v63  }
0x91: {  	_ =	swait.ge [sflag:s31], $0x2000  }
0x92: {  	[sflag:s31] =	ssyncset.done $0x0  }
0x93: {  	[sflag:s31] =	ssyncadd.s32 $0xFFFFE000  }
0x94: {  	_ =	swait.ge [sflag:s31], $0x2000  }
0x95: {  	[sflag:s31] =	ssyncset.done $0x0  }
0x96: {  	[sflag:s31] =	ssyncadd.s32 $0xFFFFE000  }
0x97: {  	_ =	swait.ge [sflag:s31], $0x2000  }
0x98: {  	[sflag:s31] =	ssyncset.done $0x0  }
0x99: {  	[sflag:s31] =	ssyncadd.s32 $0xFFFFE000  }
0x9a: {  	_ =	swait.ge [sflag:s31], $0x2000  }
0x9b: {  	s7 =	sshra.s32 s8, $0x2;
	[sflag:s31] =	ssyncset.done $0x0  }
0x9c: {  	s10 =	sadd.s32 $0x4C0, s7;
	[sflag:s31] =	ssyncadd.s32 $0xFFFFE000  }
0x9d: {  	[tilespmem:s26], [sflag:$0x2] =	stream.indirect.gather [hbm4b:s5+s20], $0x80, s10, s20, $0xb8;
	[tilespmem:$0x10800] =	vst v63  }
0x9e: {  	s19 =	sadd.s32 $0x6C0, s7  }
0x9f: {  	[tilespmem:s29], [sflag:$0x2] =	stream.indirect.gather [hbm4b:s6+s20], $0x80, s19, s20, $0xb8;
	[tilespmem:$0x10800] =	vst v63  }
.Ltmp3:
0xa0: {  	_ = 	snop;
	(pc) =	sbr.rel .LBB2_2-.Ltmp3, $4  }
0xa1: {  	s28 =	sadd.s32 $0xC0, s7  }
0xa2: {  	[tilespmem:s30], [sflag:$0x2] =	stream.indirect.gather [hbm4b:s1+s20], $0x80, s28, s20, $0xb8;
	[tilespmem:$0x10800] =	vst v63  }
0xa3: {  	s9 =	sadd.s32 $0x800, s9;
	s8 =	sadd.s32 $0x200, s8;
	s7 =	sadd.s32 $0x2C0, s7  }
0xa4: {  	[tilespmem:s0], [sflag:$0x2] =	stream.indirect.gather [hbm4b:s2+s20], $0x80, s7, s20, $0xb8;
	[tilespmem:$0x10800] =	vst v63  }
.LBB2_5:
0xa5: {  	_ =	sfence.sel $0x180000  }
0xa6: {  	[bflag:$0x0] =	sbarrier.arrive $0xFFFF  }
0xa7: {  	_ =	strace $0x90000047  }
0xa8: {  	s0 =	stileid.u32;
	[bflag:$0x2] =	sbarrier.arrive $0xFFFF  }
0xa9: {  	p0 =	sne.s32 s0, $0x0;
	s0 =	rddreg [dreg:$0x6]  }
0xaa: {  	s0 =	sadd.s32 @!p0 $0x100000, s0  }
0xab: {  	[sflag:s0] =	ssyncadd.tile.s32 @!p0 $0x1;
	_ =	shalt  }
.Lfunc_end2:
_tile_overlayer_lowered:
.L_overlay_start_2:
0xac: {  	(tag) =	ssettag $0x2  }
0xad: {  	s0 =	rddreg [dreg:$0x0];
	s2 =	stileid.u32  }
0xae: {  	s1 =	rddreg [dreg:$0x1];
	p0 =	sne.s32 s2, $0x0  }
0xaf: {  	s3 =	rddreg [dreg:$0x2];
	[bflag:$0x3] =	sbarrier.arrive $0xFFFF;
	s2 =	simm.s32 @!p0 $0x1C05  }
0xb0: {  	[timem:s3], [sflag:s2] =	dma.local @!p0 [hbm:s0], s1  }
0xb1: {  	s0 =	simm.s32 @!p0 $0x5  }
0xb2: {  	_ =	swait.ge @!p0 [sflag:s0], s1  }
0xb3: {  	s1 =	ssub.s32 @!p0 $0x0, s1;
	[sflag:s0] =	ssyncset.done @!p0 $0x0  }
0xb4: {  	[sflag:s0] =	ssyncadd.s32 @!p0 s1  }
0xb5: {  	[bflag:$0x3] =	sbarrier.arrive $0xFFFF  }
0xb6: {  	_ =	shalt  }

</sc_bundles>
